<compile_context>
chip_gen: v7x
topology: tpu7x:2x2x1
jax: 0.10.2.dev20260603
libtpu: 0.0.44.dev20260713+nightly
codegen_flags: <defaults>
</compile_context>

<pallas_src>
import functools

import jax
import jax.numpy as jnp
import numpy as np
from jax import lax
from jax.experimental import pallas as pl
from jax.experimental.pallas import tpu as pltpu
from jax.experimental.pallas import tpu_sc as plsc

NUM_CLASSES = 19
IGNORE = 255
DIM = 256
REGION_MEM = 2000
PIXEL_MEM = 20000
PIXEL_CONTRAST = 4096 // NUM_CLASSES + 1
REGION_CONTRAST = 1024 // NUM_CLASSES + 1
TAU_C = 0.1
KD_T = 1.0
MAX_SAMPLES = 1024
PIX_UPD = 10
LW_PIX = 0.1
LW_REG = 0.1

M = 8192
CHUNK = 512
NCHUNK = M // CHUNK
KPAD = 192
NPIX = NUM_CLASSES * PIXEL_CONTRAST
NREG = NUM_CLASSES * REGION_CONTRAST
NW = 32
NPIX_SC = 4352
NREG_SC = 1280
PB = NPIX_SC // NW
RB = NREG_SC // NW

_PIDX = np.array([
    19851, 12832, 2748, 10523, 1960, 5101, 10204, 14383, 8490, 8589, 7203,
    13428, 2994, 7745, 16530, 9747, 15513, 10494, 11667, 1697, 16122, 17138,
    15651, 19828, 8375, 10461, 6872, 18476, 9449, 10646, 8416, 797, 11263,
    2182, 9573, 10059, 15041, 6983, 3116, 18154, 3046, 12007, 8180, 13800,
    14128, 3207, 18959, 12575, 5344, 12351, 15909, 2261, 13268, 13183, 18122,
    2529, 4684, 10331, 11933, 4549, 8970, 8549, 13137, 15150, 15675, 13074,
    19287, 3038, 4685, 14202, 32, 15331, 13996, 19724, 8289, 14748, 3146,
    11400, 8388, 12080, 16497, 886, 5079, 5271, 1386, 6805, 18926, 6182,
    18284, 14273, 17271, 4667, 13937, 17759, 10745, 8206, 1692, 11015, 3746,
    13444, 2580, 2734, 4544, 5468, 12671, 4416, 16991, 11227, 19270, 5295,
    11974, 6850, 9245, 6058, 16590, 14973, 5521, 3692, 3623, 4204, 4224,
    17054, 4744, 15849, 8733, 10963, 2489, 14426, 4747, 17117, 11126, 17410,
    15315, 7495, 3616, 8960, 9836, 1280, 1597, 2322, 15244, 2129, 6593,
    16353, 18690, 8726, 6863, 6085, 17385, 10050, 14322, 10388, 206, 3778,
    11961, 4109, 10799, 9723, 19031, 9039, 19086, 14720, 11385, 12325, 1564,
    1471, 7612, 4989, 4659, 19561, 1843, 9986, 15303, 16629, 6853, 15096,
    15294, 4438, 19374, 1226, 11689, 9025, 16624, 4897, 14948, 13578, 14308,
    17701, 9489, 543, 3926, 9700, 16286, 7649, 19236, 13304, 6473, 13249,
    10943, 6016, 14963, 408, 19324, 16118, 15221, 483, 4915, 12933, 16443,
    2306, 16188, 4682, 18063, 16821, 7018, 5746], dtype=np.int32)

_RIDX = np.array([
    1858, 1255, 1078, 297, 1329, 1302, 1072, 900, 1014, 185, 1354, 1985,
    1053, 678, 1348, 454, 1309, 1361, 1668, 664, 1450, 1031, 15, 318, 859,
    1525, 1146, 89, 253, 606, 1318, 115, 1898, 686, 839, 258, 586, 1826,
    1079, 1474, 1911, 1857, 437, 1831, 1803, 1912, 452, 713, 1083, 892, 1086,
    879, 1446, 1147], dtype=np.int32)


def _dg(a, b, ca, cb):
    return lax.dot_general(a, b, (((ca,), (cb,)), ((), ())),
                           preferred_element_type=jnp.float32)


def _prep_body(lab_ref, s_ref, t_ref, w1_ref, g_ref, b_ref, w2_ref,
               sa_ref, ta_ref, mf_ref, upd_ref, cnt_ref, laba_ref,
               xa, tas, laba, ssum, ssq, segs, updacc, basec, cntcol,
               tril, apick, mwsel, csel):
    i = pl.program_id(0)

    @pl.when(i == 0)
    def _init():
        ssum[...] = jnp.zeros_like(ssum)
        ssq[...] = jnp.zeros_like(ssq)
        segs[...] = jnp.zeros_like(segs)
        updacc[...] = jnp.zeros_like(updacc)
        basec[...] = jnp.zeros_like(basec)
        cntcol[...] = jnp.zeros_like(cntcol)
        ri = lax.broadcasted_iota(jnp.int32, (CHUNK, CHUNK), 0)
        ci = lax.broadcasted_iota(jnp.int32, (CHUNK, CHUNK), 1)
        tril[...] = jnp.where(ci < ri, 1.0, 0.0)
        pr = lax.broadcasted_iota(jnp.int32, (CHUNK, 64), 0)
        rr = lax.broadcasted_iota(jnp.int32, (CHUNK, 64), 1)
        apick[...] = jnp.where(rr == 8 * (pr // 64), 1.0, 0.0)
        mwsel[...] = jnp.where(rr == pr % 64, 1.0, 0.0)
        csel[...] = jnp.where(pr == 8 * rr, 1.0, 0.0)

    labf = lab_ref[0, 0].astype(jnp.float32)
    labsmall = _dg(labf, csel[...], 1, 0)
    expand = _dg(apick[...], labsmall, 1, 0)
    lab512 = jnp.sum(expand * mwsel[...], axis=1, keepdims=True)
    lab = lab512.astype(jnp.int32)

    tb = t_ref[...]
    tn = tb / (jnp.sqrt(jnp.sum(tb * tb, axis=1, keepdims=True)) + 1e-12)
    cls = lax.broadcasted_iota(jnp.int32, (CHUNK, NUM_CLASSES), 1)
    oh = jnp.where((lab == cls) & (lab != IGNORE), 1.0, 0.0)

    cnt_b = jnp.sum(oh, axis=0, keepdims=True)
    excl = _dg(tril[...], oh, 1, 0) + basec[...]
    basec[...] = basec[...] + cnt_b
    segs[...] = segs[...] + _dg(oh, tn, 0, 0)
    cntcol[...] = cntcol[...] + _dg(oh, jnp.ones((CHUNK, 1), jnp.float32),
                                    0, 0)

    ecls = lax.broadcasted_iota(jnp.int32, (NUM_CLASSES, KPAD), 0)
    ecol = lax.broadcasted_iota(jnp.int32, (NUM_CLASSES, KPAD), 1)
    emat = jnp.where(ecol // PIX_UPD == ecls, 1.0, 0.0)
    clsw = _dg(oh, emat, 1, 0)
    exw = _dg(excl, emat, 1, 0)
    kvec = (lax.broadcasted_iota(jnp.int32, (1, KPAD), 1) % PIX_UPD
            ).astype(jnp.float32)
    sel = clsw * jnp.where(exw == kvec, 1.0, 0.0)
    updacc[...] = updacc[...] + _dg(sel, tn, 0, 0)

    x1 = _dg(s_ref[...], w1_ref[...], 1, 1)
    ssum[...] = ssum[...] + jnp.sum(x1, axis=0, keepdims=True)
    ssq[...] = ssq[...] + jnp.sum(x1 * x1, axis=0, keepdims=True)

    @pl.when(i < MAX_SAMPLES // CHUNK)
    def _store():
        xa[pl.ds(i * CHUNK, CHUNK), :] = x1
        tas[pl.ds(i * CHUNK, CHUNK), :] = tn
        laba[pl.ds(i * CHUNK, CHUNK), :] = lab512

    @pl.when(i == NCHUNK - 1)
    def _final():
        mean = ssum[...] / float(M)
        var = ssq[...] / float(M) - mean * mean
        xn = (xa[...] - mean) / jnp.sqrt(var + 1e-5) * g_ref[...] + b_ref[...]
        xn = jnp.maximum(xn, 0.0)
        s2 = _dg(xn, w2_ref[...], 1, 1)
        sa_ref[...] = s2 / (jnp.sqrt(jnp.sum(s2 * s2, axis=1, keepdims=True))
                            + 1e-12)
        ta_ref[...] = tas[...]
        mf = segs[...] / jnp.maximum(cntcol[...], 1.0)
        mf_ref[...] = mf / (jnp.sqrt(jnp.sum(mf * mf, axis=1, keepdims=True))
                            + 1e-12)
        u = updacc[...]
        upd_ref[...] = u / (jnp.sqrt(jnp.sum(u * u, axis=1, keepdims=True))
                            + 1e-12)
        cnt_ref[...] = cntcol[...]
        laba_ref[...] = laba[...]


def _prep(labels, sp, tp, W1, gamma, beta, W2):
    f32 = jnp.float32
    return pl.pallas_call(
        _prep_body,
        grid=(NCHUNK,),
        in_specs=[
            pl.BlockSpec((1, 1, 64, 512), lambda i: (i // 8, 0, i % 8, 0)),
            pl.BlockSpec((CHUNK, 512), lambda i: (i, 0)),
            pl.BlockSpec((CHUNK, DIM), lambda i: (i, 0)),
            pl.BlockSpec((DIM, 512), lambda i: (0, 0)),
            pl.BlockSpec((1, DIM), lambda i: (0, 0)),
            pl.BlockSpec((1, DIM), lambda i: (0, 0)),
            pl.BlockSpec((DIM, DIM), lambda i: (0, 0)),
        ],
        out_specs=[
            pl.BlockSpec((MAX_SAMPLES, DIM), lambda i: (0, 0)),
            pl.BlockSpec((MAX_SAMPLES, DIM), lambda i: (0, 0)),
            pl.BlockSpec((NUM_CLASSES, DIM), lambda i: (0, 0)),
            pl.BlockSpec((KPAD, DIM), lambda i: (0, 0)),
            pl.BlockSpec((NUM_CLASSES, 1), lambda i: (0, 0)),
            pl.BlockSpec((MAX_SAMPLES, 1), lambda i: (0, 0)),
        ],
        out_shape=[
            jax.ShapeDtypeStruct((MAX_SAMPLES, DIM), f32),
            jax.ShapeDtypeStruct((MAX_SAMPLES, DIM), f32),
            jax.ShapeDtypeStruct((NUM_CLASSES, DIM), f32),
            jax.ShapeDtypeStruct((KPAD, DIM), f32),
            jax.ShapeDtypeStruct((NUM_CLASSES, 1), f32),
            jax.ShapeDtypeStruct((MAX_SAMPLES, 1), f32),
        ],
        scratch_shapes=[
            pltpu.VMEM((MAX_SAMPLES, DIM), f32),
            pltpu.VMEM((MAX_SAMPLES, DIM), f32),
            pltpu.VMEM((MAX_SAMPLES, 1), f32),
            pltpu.VMEM((1, DIM), f32),
            pltpu.VMEM((1, DIM), f32),
            pltpu.VMEM((NUM_CLASSES, DIM), f32),
            pltpu.VMEM((KPAD, DIM), f32),
            pltpu.VMEM((1, NUM_CLASSES), f32),
            pltpu.VMEM((NUM_CLASSES, 1), f32),
            pltpu.VMEM((CHUNK, CHUNK), f32),
            pltpu.VMEM((CHUNK, 64), f32),
            pltpu.VMEM((CHUNK, 64), f32),
            pltpu.VMEM((CHUNK, 64), f32),
        ],
    )(labels, sp, tp, W1, gamma, beta, W2)


def _sc_gather(ptab, pidx_pad, rtab, ridx_pad):
    mesh = plsc.VectorSubcoreMesh(core_axis_name="c", subcore_axis_name="s")

    @functools.partial(
        pl.kernel, mesh=mesh,
        out_type=[jax.ShapeDtypeStruct((NPIX_SC, DIM), jnp.float32),
                  jax.ShapeDtypeStruct((NREG_SC, DIM), jnp.float32)],
        scratch_types=[
            pltpu.VMEM((PB,), jnp.int32),
            pltpu.VMEM((PB, DIM), jnp.float32),
            pltpu.VMEM((RB,), jnp.int32),
            pltpu.VMEM((RB, DIM), jnp.float32),
            pltpu.SemaphoreType.DMA,
            pltpu.SemaphoreType.DMA,
        ],
    )
    def gk(ptab_h, pidx_h, rtab_h, ridx_h, outp_h, outr_h,
           pidx_v, prow_v, ridx_v, rrow_v, sem1, sem2):
        wid = lax.axis_index("s") * 2 + lax.axis_index("c")
        pb = wid * PB
        rb = wid * RB
        pltpu.sync_copy(pidx_h.at[pl.ds(pb, PB)], pidx_v)
        cp1 = pltpu.async_copy(ptab_h.at[pidx_v], prow_v, sem1)
        pltpu.sync_copy(ridx_h.at[pl.ds(rb, RB)], ridx_v)
        cp2 = pltpu.async_copy(rtab_h.at[ridx_v], rrow_v, sem2)
        cp1.wait()
        cp2.wait()
        pltpu.sync_copy(prow_v, outp_h.at[pl.ds(pb, PB)])
        pltpu.sync_copy(rrow_v, outr_h.at[pl.ds(rb, RB)])

    return gk(ptab, pidx_pad, rtab, ridx_pad)


def _loss_body(sa_ref, ta_ref, xpb_ref, xrb_ref, pidx_ref, ridx_ref,
               pptr_ref, rptr_ref, cnt_ref, upd_ref, mf_ref, lab_ref,
               lp_ref, lr_ref, xps, xrs, accs):
    i = pl.program_id(0)

    @pl.when(i == 0)
    def _init():
        rowp = lax.broadcasted_iota(jnp.int32, (NPIX_SC, 1), 0)
        cp = jnp.minimum(rowp // PIXEL_CONTRAST, NUM_CLASSES - 1)
        ohc = jnp.where(
            cp == lax.broadcasted_iota(jnp.int32, (NPIX_SC, NUM_CLASSES), 1),
            1.0, 0.0)
        ptr_e = _dg(ohc, pptr_ref[...], 1, 0)
        cnt_e = _dg(ohc, cnt_ref[...], 1, 0)
        kk = jnp.mod(pidx_ref[...] - ptr_e, float(PIXEL_MEM))
        mp = jnp.where(
            (kk < PIX_UPD) & (kk < cnt_e) & (rowp < NPIX), 1.0, 0.0)
        srci = (cp * PIX_UPD
                + jnp.minimum(kk, PIX_UPD - 1).astype(jnp.int32))
        ohp = jnp.where(
            srci == lax.broadcasted_iota(jnp.int32, (NPIX_SC, KPAD), 1),
            1.0, 0.0)
        rp = _dg(ohp, upd_ref[...], 1, 0)
        xps[...] = xpb_ref[...] + mp * (rp - xpb_ref[...])

        rowr = lax.broadcasted_iota(jnp.int32, (NREG_SC, 1), 0)
        cr = jnp.minimum(rowr // REGION_CONTRAST, NUM_CLASSES - 1)
        ohcr = jnp.where(
            cr == lax.broadcasted_iota(jnp.int32, (NREG_SC, NUM_CLASSES), 1),
            1.0, 0.0)
        rptr_e = _dg(ohcr, rptr_ref[...], 1, 0)
        rcnt_e = _dg(ohcr, cnt_ref[...], 1, 0)
        mr = jnp.where(
            (ridx_ref[...] == rptr_e) & (rcnt_e > 0) & (rowr < NREG),
            1.0, 0.0)
        rr = _dg(ohcr, mf_ref[...], 1, 0)
        xrs[...] = xrb_ref[...] + mr * (rr - xrb_ref[...])
        accs[0] = 0.0
        accs[1] = 0.0
        accs[2] = 0.0

    sat = jnp.concatenate([sa_ref[...], ta_ref[...]], axis=0)
    wa = jnp.where(lab_ref[...] != float(IGNORE), 1.0, 0.0)

    def kd_part(x, nvalid, ncols):
        msk = lax.broadcasted_iota(jnp.int32, (1, ncols), 1) < nvalid
        z = _dg(sat, x, 1, 1) * (1.0 / TAU_C / KD_T)
        z = jnp.where(msk, z, -12000.0)
        zs = z[:BLK]
        zt = z[BLK:]
        ezt = jnp.exp(zt)
        ss = jnp.sum(jnp.exp(zs), axis=1, keepdims=True)
        st = jnp.sum(ezt, axis=1, keepdims=True)
        dot = jnp.sum(ezt * (zt - zs), axis=1, keepdims=True)
        kl = dot / st + jnp.log(ss) - jnp.log(st)
        return jnp.sum(kl * wa)

    vp = kd_part(xps[...], NPIX, NPIX_SC)
    vr = kd_part(xrs[...], NREG, NREG_SC)
    accs[0] = accs[0] + vp
    accs[1] = accs[1] + vr
    accs[2] = accs[2] + jnp.sum(wa)

    @pl.when(i == pl.num_programs(0) - 1)
    def _fin():
        den = jnp.maximum(accs[2], 1.0)
        lp_ref[...] = jnp.broadcast_to(
            accs[0] / den * (KD_T * KD_T) * LW_PIX, (1, 1))
        lr_ref[...] = jnp.broadcast_to(
            accs[1] / den * (KD_T * KD_T) * LW_REG, (1, 1))


BLK = 256


def _loss(sa, ta, xpb, xrb, pidxf, ridxf, pptrf, rptrf, cnt, upd, mf, laba):
    f32 = jnp.float32
    blk = BLK
    return pl.pallas_call(
        _loss_body,
        grid=(MAX_SAMPLES // blk,),
        in_specs=[
            pl.BlockSpec((blk, DIM), lambda i: (i, 0)),
            pl.BlockSpec((blk, DIM), lambda i: (i, 0)),
            pl.BlockSpec((NPIX_SC, DIM), lambda i: (0, 0)),
            pl.BlockSpec((NREG_SC, DIM), lambda i: (0, 0)),
            pl.BlockSpec((NPIX_SC, 1), lambda i: (0, 0)),
            pl.BlockSpec((NREG_SC, 1), lambda i: (0, 0)),
            pl.BlockSpec((NUM_CLASSES, 1), lambda i: (0, 0)),
            pl.BlockSpec((NUM_CLASSES, 1), lambda i: (0, 0)),
            pl.BlockSpec((NUM_CLASSES, 1), lambda i: (0, 0)),
            pl.BlockSpec((KPAD, DIM), lambda i: (0, 0)),
            pl.BlockSpec((NUM_CLASSES, DIM), lambda i: (0, 0)),
            pl.BlockSpec((blk, 1), lambda i: (i, 0)),
        ],
        out_specs=[
            pl.BlockSpec((1, 1), lambda i: (0, 0)),
            pl.BlockSpec((1, 1), lambda i: (0, 0)),
        ],
        out_shape=[
            jax.ShapeDtypeStruct((1, 1), f32),
            jax.ShapeDtypeStruct((1, 1), f32),
        ],
        scratch_shapes=[
            pltpu.VMEM((NPIX_SC, DIM), f32),
            pltpu.VMEM((NREG_SC, DIM), f32),
            pltpu.SMEM((4,), f32),
        ],
    )(sa, ta, xpb, xrb, pidxf, ridxf, pptrf, rptrf, cnt, upd, mf, laba)


def kernel(s_feats, t_feats, logits_S, logits_T, labels, W1, gamma, beta, W2,
           seg_queue, pix_queue, seg_ptr, pix_ptr):
    f32 = jnp.float32
    sp = s_feats.transpose(0, 2, 3, 1).reshape(M, 512)
    tp = t_feats.transpose(0, 2, 3, 1).reshape(M, DIM)

    sa, ta, mean_feat, upd, cnt_col, laba = _prep(
        labels, sp, tp, W1, gamma.reshape(1, DIM), beta.reshape(1, DIM), W2)

    pflat = np.concatenate(
        [(np.arange(NUM_CLASSES, dtype=np.int32)[:, None] * PIXEL_MEM
          + _PIDX[None, :]).reshape(NPIX),
         np.zeros(NPIX_SC - NPIX, np.int32)])
    rflat = np.concatenate(
        [(np.arange(NUM_CLASSES, dtype=np.int32)[:, None] * REGION_MEM
          + _RIDX[None, :]).reshape(NREG),
         np.zeros(NREG_SC - NREG, np.int32)])
    xpb, xrb = _sc_gather(
        pix_queue.reshape(NUM_CLASSES * PIXEL_MEM, DIM), jnp.asarray(pflat),
        seg_queue.reshape(NUM_CLASSES * REGION_MEM, DIM), jnp.asarray(rflat))

    pidxf = jnp.asarray(
        np.concatenate([np.tile(_PIDX, NUM_CLASSES),
                        np.zeros(NPIX_SC - NPIX, np.int32)])
        .astype(np.float32).reshape(NPIX_SC, 1))
    ridxf = jnp.asarray(
        np.concatenate([np.tile(_RIDX, NUM_CLASSES),
                        np.full(NREG_SC - NREG, -1, np.int32)])
        .astype(np.float32).reshape(NREG_SC, 1))
    pptrf = pix_ptr.astype(f32).reshape(NUM_CLASSES, 1)
    rptrf = seg_ptr.astype(f32).reshape(NUM_CLASSES, 1)

    lp_out, lr_out = _loss(sa, ta, xpb, xrb, pidxf, ridxf, pptrf, rptrf,
                           cnt_col, upd, mean_feat, laba)
    return (lp_out[0, 0], lr_out[0, 0])

# --- scband reference (transcript-rebuilt; emitter-appended) ---
"""Pipeline reference for scband-cirkdmem-loss-16509854286625 (READ-ONLY COPY).

The authoritative reference and input builder live on the scoring server;
editing this copy changes nothing except your own understanding.
"""

import jax, jax.numpy as jnp
import numpy as np

NUM_CLASSES = 19
IGNORE = 255
DIM = 256
REGION_MEM = 2000
PIXEL_MEM = 20000
PIXEL_CONTRAST = 4096 // NUM_CLASSES + 1
REGION_CONTRAST = 1024 // NUM_CLASSES + 1
TAU_C = 0.1
KD_T = 1.0
MAX_SAMPLES = 1024
PIX_UPD = 10
LW_PIX = 0.1
LW_REG = 0.1


def l2n(x, axis):
    return x / (jnp.linalg.norm(x, axis=axis, keepdims=True) + 1e-12)


def kd_loss(s_logits, t_logits, w):
    ps = jax.nn.log_softmax(s_logits / KD_T, axis=1)
    pt = jax.nn.softmax(t_logits / KD_T, axis=1)
    log_pt = jax.nn.log_softmax(t_logits / KD_T, axis=1)
    kl = jnp.sum(pt * (log_pt - ps), axis=1)
    return (jnp.sum(kl * w) / jnp.maximum(jnp.sum(w), 1.0)) * (KD_T ** 2)


def setup_inputs(seed: int = 0):
    key = jax.random.key(seed)
    ks = jax.random.split(key, 12)
    s_feats = jax.random.normal(ks[0], (2, 512, 64, 64), jnp.float32)
    t_feats = jax.random.normal(ks[1], (2, 256, 64, 64), jnp.float32)
    logits_S = jax.random.normal(ks[2], (2, NUM_CLASSES, 64, 64), jnp.float32)
    logits_T = jax.random.normal(ks[3], (2, NUM_CLASSES, 64, 64), jnp.float32)
    labels = jax.random.randint(ks[4], (2, 1, 512, 512), 0, NUM_CLASSES).astype(jnp.int32)
    W1 = 0.02 * jax.random.normal(ks[5], (256, 512), jnp.float32)
    gamma = jnp.ones((256,), jnp.float32)
    beta = jnp.zeros((256,), jnp.float32)
    W2 = 0.02 * jax.random.normal(ks[6], (256, 256), jnp.float32)
    seg_queue = l2n(jax.random.normal(ks[7], (NUM_CLASSES, REGION_MEM, DIM), jnp.float32), 2)
    pix_queue = l2n(jax.random.normal(ks[8], (NUM_CLASSES, PIXEL_MEM, DIM), jnp.float32), 2)
    seg_ptr = jnp.zeros((NUM_CLASSES,), jnp.int32)
    pix_ptr = jnp.zeros((NUM_CLASSES,), jnp.int32)
    return {"s_feats": s_feats, "t_feats": t_feats, "logits_S": logits_S, "logits_T": logits_T,
            "labels": labels, "W1": W1, "gamma": gamma, "beta": beta, "W2": W2,
            "seg_queue": seg_queue, "pix_queue": pix_queue, "seg_ptr": seg_ptr, "pix_ptr": pix_ptr}


def reference(s_feats, t_feats, logits_S, logits_T, labels, W1, gamma, beta, W2, seg_queue, pix_queue, seg_ptr, pix_ptr):
    N, _, H, W = s_feats.shape
    # teacher feature normalize
    t = l2n(t_feats, 1)
    # project head: 1x1 conv -> BN -> ReLU -> 1x1 conv
    x = jnp.einsum('oc,nchw->nohw', W1, s_feats)
    mu = x.mean(axis=(0, 2, 3), keepdims=True)
    var = x.var(axis=(0, 2, 3), keepdims=True)
    x = (x - mu) / jnp.sqrt(var + 1e-5) * gamma[None, :, None, None] + beta[None, :, None, None]
    x = jax.nn.relu(x)
    s = l2n(jnp.einsum('oc,nchw->nohw', W2, x), 1)
    predict_S = jnp.argmax(logits_S, axis=1)  # kept for faithfulness (anchor selection metadata)
    # nearest-neighbor downsample labels to (H, W)
    Lh, Lw = labels.shape[-2], labels.shape[-1]
    iy = (jnp.arange(H) * Lh) // H
    ix = (jnp.arange(W) * Lw) // W
    lab = labels[:, 0][:, iy][:, :, ix].reshape(-1)
    valid = (lab != IGNORE)
    validf = valid.astype(jnp.float32)
    s_p = s.transpose(0, 2, 3, 1).reshape(-1, DIM)
    t_p = t.transpose(0, 2, 3, 1).reshape(-1, DIM)
    # ---- dequeue_and_enqueue (no-grad): per-class region mean scatter + pixel scatter ----
    tq = jax.lax.stop_gradient(t_p)
    seg_ids = jnp.where(valid, lab, NUM_CLASSES)
    sums = jax.ops.segment_sum(tq, seg_ids, num_segments=NUM_CLASSES + 1)[:NUM_CLASSES]
    cnts = jax.ops.segment_sum(validf, seg_ids, num_segments=NUM_CLASSES + 1)[:NUM_CLASSES]
    mean_feat = l2n(sums / jnp.maximum(cnts, 1.0)[:, None], 1)
    cur = seg_queue[jnp.arange(NUM_CLASSES), seg_ptr, :]
    new_rows = jnp.where((cnts > 0)[:, None], mean_feat, cur)
    seg_queue = seg_queue.at[jnp.arange(NUM_CLASSES), seg_ptr, :].set(new_rows)
    M = tq.shape[0]
    order = -jnp.arange(M, dtype=jnp.float32)
    for lb in range(NUM_CLASSES):
        match = (lab == lb) & valid
        score = jnp.where(match, order, -1e9)
        topv, topi = jax.lax.top_k(score, PIX_UPD)
        feats = l2n(tq[topi], 1)
        ok = (topv > -1e8)[:, None]
        slots = (pix_ptr[lb] + jnp.arange(PIX_UPD)) % PIXEL_MEM
        cur_rows = pix_queue[lb, slots, :]
        pix_queue = pix_queue.at[lb, slots, :].set(jnp.where(ok, feats, cur_rows))
    # ---- sample negatives from memory queues (gather) ----
    pidx = jax.random.permutation(jax.random.key(1), PIXEL_MEM)[:PIXEL_CONTRAST]
    Xp = pix_queue[:, pidx, :].reshape(NUM_CLASSES * PIXEL_CONTRAST, DIM)
    ridx = jax.random.permutation(jax.random.key(2), REGION_MEM)[:REGION_CONTRAST]
    Xr = seg_queue[:, ridx, :].reshape(NUM_CLASSES * REGION_CONTRAST, DIM)
    # ---- anchor sampling (first max_samples valid-weighted pixels) ----
    aidx = jnp.arange(MAX_SAMPLES)
    sa = s_p[aidx]
    ta = t_p[aidx]
    wa = validf[aidx]
    lp = kd_loss(sa @ Xp.T / TAU_C, ta @ Xp.T / TAU_C, wa)
    lr = kd_loss(sa @ Xr.T / TAU_C, ta @ Xr.T / TAU_C, wa)
    return (LW_PIX * lp, LW_REG * lr)

if __name__ == "__main__":
    import jax
    _d = setup_inputs()
    print(jax.jit(kernel)(*tuple(_d.values())))

</pallas_src>

<mosaic_0001>
#map = affine_map<(d0, d1) -> (0, 0)>
#map1 = affine_map<(d0, d1) -> (0)>
module attributes {stable_mosaic.version = 14 : i64} {
  func.func @gk(%arg0: i32, %arg1: i32, %arg2: memref<380000x256xf32, #tpu.memory_space<hbm>>, %arg3: memref<4352xi32, #tpu.memory_space<hbm>>, %arg4: memref<38000x256xf32, #tpu.memory_space<hbm>>, %arg5: memref<1280xi32, #tpu.memory_space<hbm>>, %arg6: memref<4352x256xf32, #tpu.memory_space<hbm>>, %arg7: memref<1280x256xf32, #tpu.memory_space<hbm>>, %arg8: memref<136xi32, #tpu.memory_space<vmem>>, %arg9: memref<136x256xf32, #tpu.memory_space<vmem>>, %arg10: memref<40xi32, #tpu.memory_space<vmem>>, %arg11: memref<40x256xf32, #tpu.memory_space<vmem>>, %arg12: memref<!tpu.dma_semaphore, #tpu.memory_space<semaphore_mem>>, %arg13: memref<!tpu.dma_semaphore, #tpu.memory_space<semaphore_mem>>) attributes {dimension_semantics = [#tpu.dimension_semantics<core_parallel>, #tpu.dimension_semantics<subcore_parallel>], iteration_bounds = array<i64: 2, 16>, scalar_prefetch = 0 : i64, scratch_operands = 6 : i64, tpu.core_type = #tpu.core_type<sc_vector_subcore>, window_params = [{transform_indices = #map}, {transform_indices = #map1}, {transform_indices = #map}, {transform_indices = #map1}, {transform_indices = #map}, {transform_indices = #map}]} {
    %mul3A = arith.constant 2 : i32
    %mul3A_0 = arith.muli %arg1, %mul3A : i32
    %add3A = arith.addi %mul3A_0, %arg0 : i32
    %mul3A_1 = arith.constant 136 : i32
    %mul3A_2 = arith.muli %add3A, %mul3A_1 : i32
    %mul3A_3 = arith.constant 40 : i32
    %mul3A_4 = arith.muli %add3A, %mul3A_3 : i32
    "tpu.region"() ({
      %run_scoped3A = tpu.sem_alloc : memref<!tpu.dma_semaphore, #tpu.memory_space<semaphore_mem>>
      %dma_start3A_15 = tpu.memref_slice %arg3[%mul3A_2] : memref<4352xi32, #tpu.memory_space<hbm>> -> memref<136xi32, #tpu.memory_space<hbm>>
      %dma_start3A_16 = tpu.memref_slice %arg3[%mul3A_2] : memref<4352xi32, #tpu.memory_space<hbm>> -> memref<136xi32, #tpu.memory_space<hbm>>
      tpu.enqueue_dma source(%dma_start3A_16 : memref<136xi32, #tpu.memory_space<hbm>>) target(%arg8 : memref<136xi32, #tpu.memory_space<vmem>>) target_semaphore(%run_scoped3A : memref<!tpu.dma_semaphore, #tpu.memory_space<semaphore_mem>>)
      %dma_wait3A_17 = tpu.memref_slice %arg3[%mul3A_2] : memref<4352xi32, #tpu.memory_space<hbm>> -> memref<136xi32, #tpu.memory_space<hbm>>
      %dma_wait3A_18 = tpu.memref_slice %arg3[%mul3A_2] : memref<4352xi32, #tpu.memory_space<hbm>> -> memref<136xi32, #tpu.memory_space<hbm>>
      tpu.wait_dma2 semaphore(%run_scoped3A : memref<!tpu.dma_semaphore, #tpu.memory_space<semaphore_mem>>) src(%dma_wait3A_18 : memref<136xi32, #tpu.memory_space<hbm>>) dst(%arg8 : memref<136xi32, #tpu.memory_space<vmem>>)
      tpu.yield
    }) : () -> ()
    %dma_start3A = arith.constant 0 : i32
    %dma_start3A_5 = arith.constant 0 : i32
    %dma_start3A_6 = tpu.memref_slice %arg2[%dma_start3A, %dma_start3A_5] : memref<380000x256xf32, #tpu.memory_space<hbm>> -> memref<380000x256xf32, #tpu.memory_space<hbm>>
    tpu.enqueue_indirect_dma source(%dma_start3A_6 : memref<380000x256xf32, #tpu.memory_space<hbm>>) target(%arg9 : memref<136x256xf32, #tpu.memory_space<vmem>>) offsets(%arg8 : memref<136xi32, #tpu.memory_space<vmem>>) semaphore(%arg12 : memref<!tpu.dma_semaphore, #tpu.memory_space<semaphore_mem>>)
    "tpu.region"() ({
      %run_scoped3A = tpu.sem_alloc : memref<!tpu.dma_semaphore, #tpu.memory_space<semaphore_mem>>
      %dma_start3A_15 = tpu.memref_slice %arg5[%mul3A_4] : memref<1280xi32, #tpu.memory_space<hbm>> -> memref<40xi32, #tpu.memory_space<hbm>>
      %dma_start3A_16 = tpu.memref_slice %arg5[%mul3A_4] : memref<1280xi32, #tpu.memory_space<hbm>> -> memref<40xi32, #tpu.memory_space<hbm>>
      tpu.enqueue_dma source(%dma_start3A_16 : memref<40xi32, #tpu.memory_space<hbm>>) target(%arg10 : memref<40xi32, #tpu.memory_space<vmem>>) target_semaphore(%run_scoped3A : memref<!tpu.dma_semaphore, #tpu.memory_space<semaphore_mem>>)
      %dma_wait3A_17 = tpu.memref_slice %arg5[%mul3A_4] : memref<1280xi32, #tpu.memory_space<hbm>> -> memref<40xi32, #tpu.memory_space<hbm>>
      %dma_wait3A_18 = tpu.memref_slice %arg5[%mul3A_4] : memref<1280xi32, #tpu.memory_space<hbm>> -> memref<40xi32, #tpu.memory_space<hbm>>
      tpu.wait_dma2 semaphore(%run_scoped3A : memref<!tpu.dma_semaphore, #tpu.memory_space<semaphore_mem>>) src(%dma_wait3A_18 : memref<40xi32, #tpu.memory_space<hbm>>) dst(%arg10 : memref<40xi32, #tpu.memory_space<vmem>>)
      tpu.yield
    }) : () -> ()
    %dma_start3A_7 = arith.constant 0 : i32
    %dma_start3A_8 = arith.constant 0 : i32
    %dma_start3A_9 = tpu.memref_slice %arg4[%dma_start3A_7, %dma_start3A_8] : memref<38000x256xf32, #tpu.memory_space<hbm>> -> memref<38000x256xf32, #tpu.memory_space<hbm>>
    tpu.enqueue_indirect_dma source(%dma_start3A_9 : memref<38000x256xf32, #tpu.memory_space<hbm>>) target(%arg11 : memref<40x256xf32, #tpu.memory_space<vmem>>) offsets(%arg10 : memref<40xi32, #tpu.memory_space<vmem>>) semaphore(%arg13 : memref<!tpu.dma_semaphore, #tpu.memory_space<semaphore_mem>>)
    %dma_wait3A = arith.constant 0 : i32
    %dma_wait3A_10 = arith.constant 0 : i32
    %dma_wait3A_11 = tpu.memref_slice %arg2[%dma_wait3A, %dma_wait3A_10] : memref<380000x256xf32, #tpu.memory_space<hbm>> -> memref<380000x256xf32, #tpu.memory_space<hbm>>
    tpu.wait_indirect_dma semaphore(%arg12 : memref<!tpu.dma_semaphore, #tpu.memory_space<semaphore_mem>>) src(%dma_wait3A_11 : memref<380000x256xf32, #tpu.memory_space<hbm>>) dst(%arg9 : memref<136x256xf32, #tpu.memory_space<vmem>>)
    %dma_wait3A_12 = arith.constant 0 : i32
    %dma_wait3A_13 = arith.constant 0 : i32
    %dma_wait3A_14 = tpu.memref_slice %arg4[%dma_wait3A_12, %dma_wait3A_13] : memref<38000x256xf32, #tpu.memory_space<hbm>> -> memref<38000x256xf32, #tpu.memory_space<hbm>>
    tpu.wait_indirect_dma semaphore(%arg13 : memref<!tpu.dma_semaphore, #tpu.memory_space<semaphore_mem>>) src(%dma_wait3A_14 : memref<38000x256xf32, #tpu.memory_space<hbm>>) dst(%arg11 : memref<40x256xf32, #tpu.memory_space<vmem>>)
    "tpu.region"() ({
      %run_scoped3A = tpu.sem_alloc : memref<!tpu.dma_semaphore, #tpu.memory_space<semaphore_mem>>
      %dma_start3A_15 = arith.constant 0 : i32
      %dma_start3A_16 = tpu.memref_slice %arg6[%mul3A_2, %dma_start3A_15] : memref<4352x256xf32, #tpu.memory_space<hbm>> -> memref<136x256xf32, #tpu.memory_space<hbm>>
      %dma_start3A_17 = arith.constant 0 : i32
      %dma_start3A_18 = tpu.memref_slice %arg6[%mul3A_2, %dma_start3A_17] : memref<4352x256xf32, #tpu.memory_space<hbm>> -> memref<136x256xf32, #tpu.memory_space<hbm>>
      tpu.enqueue_dma source(%arg9 : memref<136x256xf32, #tpu.memory_space<vmem>>) target(%dma_start3A_18 : memref<136x256xf32, #tpu.memory_space<hbm>>) target_semaphore(%run_scoped3A : memref<!tpu.dma_semaphore, #tpu.memory_space<semaphore_mem>>)
      %dma_wait3A_19 = arith.constant 0 : i32
      %dma_wait3A_20 = tpu.memref_slice %arg6[%mul3A_2, %dma_wait3A_19] : memref<4352x256xf32, #tpu.memory_space<hbm>> -> memref<136x256xf32, #tpu.memory_space<hbm>>
      %dma_wait3A_21 = arith.constant 0 : i32
      %dma_wait3A_22 = tpu.memref_slice %arg6[%mul3A_2, %dma_wait3A_21] : memref<4352x256xf32, #tpu.memory_space<hbm>> -> memref<136x256xf32, #tpu.memory_space<hbm>>
      tpu.wait_dma2 semaphore(%run_scoped3A : memref<!tpu.dma_semaphore, #tpu.memory_space<semaphore_mem>>) src(%arg9 : memref<136x256xf32, #tpu.memory_space<vmem>>) dst(%dma_wait3A_22 : memref<136x256xf32, #tpu.memory_space<hbm>>)
      tpu.yield
    }) : () -> ()
    "tpu.region"() ({
      %run_scoped3A = tpu.sem_alloc : memref<!tpu.dma_semaphore, #tpu.memory_space<semaphore_mem>>
      %dma_start3A_15 = arith.constant 0 : i32
      %dma_start3A_16 = tpu.memref_slice %arg7[%mul3A_4, %dma_start3A_15] : memref<1280x256xf32, #tpu.memory_space<hbm>> -> memref<40x256xf32, #tpu.memory_space<hbm>>
      %dma_start3A_17 = arith.constant 0 : i32
      %dma_start3A_18 = tpu.memref_slice %arg7[%mul3A_4, %dma_start3A_17] : memref<1280x256xf32, #tpu.memory_space<hbm>> -> memref<40x256xf32, #tpu.memory_space<hbm>>
      tpu.enqueue_dma source(%arg11 : memref<40x256xf32, #tpu.memory_space<vmem>>) target(%dma_start3A_18 : memref<40x256xf32, #tpu.memory_space<hbm>>) target_semaphore(%run_scoped3A : memref<!tpu.dma_semaphore, #tpu.memory_space<semaphore_mem>>)
      %dma_wait3A_19 = arith.constant 0 : i32
      %dma_wait3A_20 = tpu.memref_slice %arg7[%mul3A_4, %dma_wait3A_19] : memref<1280x256xf32, #tpu.memory_space<hbm>> -> memref<40x256xf32, #tpu.memory_space<hbm>>
      %dma_wait3A_21 = arith.constant 0 : i32
      %dma_wait3A_22 = tpu.memref_slice %arg7[%mul3A_4, %dma_wait3A_21] : memref<1280x256xf32, #tpu.memory_space<hbm>> -> memref<40x256xf32, #tpu.memory_space<hbm>>
      tpu.wait_dma2 semaphore(%run_scoped3A : memref<!tpu.dma_semaphore, #tpu.memory_space<semaphore_mem>>) src(%arg11 : memref<40x256xf32, #tpu.memory_space<vmem>>) dst(%dma_wait3A_22 : memref<40x256xf32, #tpu.memory_space<hbm>>)
      tpu.yield
    }) : () -> ()
    return
  }
}

module attributes {stable_mosaic.version = 14 : i64} {
  func.func @_loss_body(%arg0: i32, %arg1: memref<256x256xf32, #tpu.memory_space<vmem>>, %arg2: memref<256x256xf32, #tpu.memory_space<vmem>>, %arg3: memref<4352x256xf32, #tpu.memory_space<vmem>>, %arg4: memref<1280x256xf32, #tpu.memory_space<vmem>>, %arg5: memref<4352x1xf32, #tpu.memory_space<vmem>>, %arg6: memref<1280x1xf32, #tpu.memory_space<vmem>>, %arg7: memref<19x1xf32, #tpu.memory_space<vmem>>, %arg8: memref<19x1xf32, #tpu.memory_space<vmem>>, %arg9: memref<19x1xf32, #tpu.memory_space<vmem>>, %arg10: memref<192x256xf32, #tpu.memory_space<vmem>>, %arg11: memref<19x256xf32, #tpu.memory_space<vmem>>, %arg12: memref<256x1xf32, #tpu.memory_space<vmem>>, %arg13: memref<1x1xf32, #tpu.memory_space<vmem>>, %arg14: memref<1x1xf32, #tpu.memory_space<vmem>>, %arg15: memref<4352x256xf32, #tpu.memory_space<vmem>>, %arg16: memref<1280x256xf32, #tpu.memory_space<vmem>>, %arg17: memref<4xf32, #tpu.memory_space<smem>>) attributes {dimension_semantics = [#tpu.dimension_semantics<arbitrary>], iteration_bounds = array<i64: 4>, scalar_prefetch = 0 : i64, scratch_operands = 3 : i64, tpu.core_type = #tpu.core_type<tc>, window_params = [{transform_indices = @transform_0, window_bounds = array<i64: 256, 256>}, {transform_indices = @transform_1, window_bounds = array<i64: 256, 256>}, {pipeline_mode = #tpu.pipeline_mode<synchronous>, transform_indices = @transform_2, window_bounds = array<i64: 4352, 256>}, {pipeline_mode = #tpu.pipeline_mode<synchronous>, transform_indices = @transform_3, window_bounds = array<i64: 1280, 256>}, {pipeline_mode = #tpu.pipeline_mode<synchronous>, transform_indices = @transform_4, window_bounds = array<i64: 4352, 1>}, {pipeline_mode = #tpu.pipeline_mode<synchronous>, transform_indices = @transform_5, window_bounds = array<i64: 1280, 1>}, {pipeline_mode = #tpu.pipeline_mode<synchronous>, transform_indices = @transform_6, window_bounds = array<i64: 19, 1>}, {pipeline_mode = #tpu.pipeline_mode<synchronous>, transform_indices = @transform_7, window_bounds = array<i64: 19, 1>}, {pipeline_mode = #tpu.pipeline_mode<synchronous>, transform_indices = @transform_8, window_bounds = array<i64: 19, 1>}, {pipeline_mode = #tpu.pipeline_mode<synchronous>, transform_indices = @transform_9, window_bounds = array<i64: 192, 256>}, {pipeline_mode = #tpu.pipeline_mode<synchronous>, transform_indices = @transform_10, window_bounds = array<i64: 19, 256>}, {transform_indices = @transform_11, window_bounds = array<i64: 256, 1>}, {pipeline_mode = #tpu.pipeline_mode<synchronous>, transform_indices = @transform_12, window_bounds = array<i64: 1, 1>}, {pipeline_mode = #tpu.pipeline_mode<synchronous>, transform_indices = @transform_13, window_bounds = array<i64: 1, 1>}]} {
    %eq3A = arith.constant 0 : i32
    %eq3A_0 = arith.cmpi eq, %arg0, %eq3A : i32
    %convert_element_type3A = arith.extui %eq3A_0 : i1 to i32
    %cond3A = arith.constant 0 : i32
    %cond3A_1 = arith.cmpi ne, %convert_element_type3A, %cond3A : i32
    scf.if %cond3A_1 {
      %iota3A_113 = tpu.iota {dimensions = array<i32: 0>} : vector<4352x1xi32>
      %jit3A_114 = arith.constant 216 : i32
      %div3A_115 = vector.broadcast %jit3A_114 : i32 to vector<4352x1xi32>
      %div3A_116 = arith.divsi %iota3A_113, %div3A_115 : vector<4352x1xi32>
      %sign3A = arith.constant 0 : i32
      %sign3A_117 = vector.broadcast %sign3A : i32 to vector<4352x1xi32>
      %sign3A_118 = arith.cmpi sgt, %iota3A_113, %sign3A_117 : vector<4352x1xi32>
      %sign3A_119 = arith.extui %sign3A_118 : vector<4352x1xi1> to vector<4352x1xi32>
      %sign3A_120 = arith.constant 0 : i32
      %sign3A_121 = vector.broadcast %sign3A_120 : i32 to vector<4352x1xi32>
      %sign3A_122 = arith.cmpi slt, %iota3A_113, %sign3A_121 : vector<4352x1xi32>
      %sign3A_123 = arith.extui %sign3A_122 : vector<4352x1xi1> to vector<4352x1xi32>
      %sign3A_124 = arith.subi %sign3A_119, %sign3A_123 : vector<4352x1xi32>
      %sign3A_125 = arith.constant 0 : i32
      %sign3A_126 = arith.cmpi sgt, %jit3A_114, %sign3A_125 : i32
      %sign3A_127 = arith.extui %sign3A_126 : i1 to i32
      %sign3A_128 = arith.constant 0 : i32
      %sign3A_129 = arith.cmpi slt, %jit3A_114, %sign3A_128 : i32
      %sign3A_130 = arith.extui %sign3A_129 : i1 to i32
      %sign3A_131 = arith.subi %sign3A_127, %sign3A_130 : i32
      %ne3A_132 = vector.broadcast %sign3A_131 : i32 to vector<4352x1xi32>
      %ne3A_133 = arith.cmpi ne, %sign3A_124, %ne3A_132 : vector<4352x1xi32>
      %rem3A = vector.broadcast %jit3A_114 : i32 to vector<4352x1xi32>
      %rem3A_134 = arith.remsi %iota3A_113, %rem3A : vector<4352x1xi32>
      %ne3A_135 = arith.constant 0 : i32
      %ne3A_136 = vector.broadcast %ne3A_135 : i32 to vector<4352x1xi32>
      %ne3A_137 = arith.cmpi ne, %rem3A_134, %ne3A_136 : vector<4352x1xi32>
      %and3A = arith.andi %ne3A_133, %ne3A_137 : vector<4352x1xi1>
      %sub3A_138 = arith.constant 1 : i32
      %sub3A_139 = vector.broadcast %sub3A_138 : i32 to vector<4352x1xi32>
      %sub3A_140 = arith.subi %div3A_116, %sub3A_139 : vector<4352x1xi32>
      %select_n3A_141 = arith.select %and3A, %sub3A_140, %div3A_116 : vector<4352x1xi1>, vector<4352x1xi32>
      %min3A = arith.constant 18 : i32
      %min3A_142 = vector.broadcast %min3A : i32 to vector<4352x1xi32>
      %min3A_143 = arith.minsi %select_n3A_141, %min3A_142 : vector<4352x1xi32>
      %iota3A_144 = tpu.iota {dimensions = array<i32: 1>} : vector<4352x19xi32>
      %eq3A_145 = vector.broadcast %min3A_143 : vector<4352x1xi32> to vector<4352x19xi32>
      %eq3A_146 = arith.cmpi eq, %eq3A_145, %iota3A_144 : vector<4352x19xi32>
      %jit3A_147 = arith.constant 1.000000e+00 : f32
      %jit3A_148 = arith.constant 0.000000e+00 : f32
      %broadcast_in_dim3A_149 = vector.broadcast %jit3A_147 : f32 to vector<4352x19xf32>
      %broadcast_in_dim3A_150 = vector.broadcast %jit3A_148 : f32 to vector<4352x19xf32>
      %select_n3A_151 = arith.select %eq3A_146, %broadcast_in_dim3A_149, %broadcast_in_dim3A_150 : vector<4352x19xi1>, vector<4352x19xf32>
      %get3A_152 = arith.constant 0 : index
      %get3A_153 = arith.constant 0 : index
      %get3A_154 = vector.load %arg7[%get3A_152, %get3A_153] : memref<19x1xf32, #tpu.memory_space<vmem>>, vector<19x1xf32>
      %dot_general3A_155 = arith.constant dense<0.000000e+00> : vector<4352x1xf32>
      %dot_general3A_156 = tpu.matmul %select_n3A_151, %get3A_154, %dot_general3A_155 {dimension_numbers = #tpu.dot_dimension_numbers<[1], [0], [0], [1], [0, 0, 1, 1], [], []>, transpose_lhs_hint = false} : vector<4352x19xf32>, vector<19x1xf32>, vector<4352x1xf32> -> vector<4352x1xf32>
      %get3A_157 = arith.constant 0 : index
      %get3A_158 = arith.constant 0 : index
      %get3A_159 = vector.load %arg9[%get3A_157, %get3A_158] : memref<19x1xf32, #tpu.memory_space<vmem>>, vector<19x1xf32>
      %dot_general3A_160 = arith.constant dense<0.000000e+00> : vector<4352x1xf32>
      %dot_general3A_161 = tpu.matmul %select_n3A_151, %get3A_159, %dot_general3A_160 {dimension_numbers = #tpu.dot_dimension_numbers<[1], [0], [0], [1], [0, 0, 1, 1], [], []>, transpose_lhs_hint = false} : vector<4352x19xf32>, vector<19x1xf32>, vector<4352x1xf32> -> vector<4352x1xf32>
      %get3A_162 = arith.constant 0 : index
      %get3A_163 = arith.constant 0 : index
      %get3A_164 = vector.load %arg5[%get3A_162, %get3A_163] : memref<4352x1xf32, #tpu.memory_space<vmem>>, vector<4352x1xf32>
      %sub3A_165 = arith.subf %get3A_164, %dot_general3A_156 : vector<4352x1xf32>
      %jit3A_166 = arith.constant 2.000000e+04 : f32
      %rem3A_167 = vector.broadcast %jit3A_166 : f32 to vector<4352x1xf32>
      %rem3A_168 = arith.remf %sub3A_165, %rem3A_167 : vector<4352x1xf32>
      %ne3A_169 = arith.constant 0.000000e+00 : f32
      %ne3A_170 = vector.broadcast %ne3A_169 : f32 to vector<4352x1xf32>
      %ne3A_171 = arith.cmpf one, %rem3A_168, %ne3A_170 : vector<4352x1xf32>
      %lt3A_172 = arith.constant 0.000000e+00 : f32
      %lt3A_173 = vector.broadcast %lt3A_172 : f32 to vector<4352x1xf32>
      %lt3A_174 = arith.cmpf olt, %rem3A_168, %lt3A_173 : vector<4352x1xf32>
      %lt3A_175 = arith.constant 0.000000e+00 : f32
      %lt3A_176 = arith.cmpf olt, %jit3A_166, %lt3A_175 : f32
      %ne3A_177 = vector.broadcast %lt3A_176 : i1 to vector<4352x1xi1>
      %ne3A_178 = vector.broadcast %ne3A_177 : vector<4352x1xi1> to vector<4352x1xi1>
      %ne3A_179 = arith.xori %lt3A_174, %ne3A_178 : vector<4352x1xi1>
      %and3A_180 = arith.andi %ne3A_179, %ne3A_171 : vector<4352x1xi1>
      %add3A_181 = vector.broadcast %jit3A_166 : f32 to vector<4352x1xf32>
      %add3A_182 = arith.addf %rem3A_168, %add3A_181 : vector<4352x1xf32>
      %select_n3A_183 = arith.select %and3A_180, %add3A_182, %rem3A_168 : vector<4352x1xi1>, vector<4352x1xf32>
      %lt3A_184 = arith.constant 1.000000e+01 : f32
      %lt3A_185 = vector.broadcast %lt3A_184 : f32 to vector<4352x1xf32>
      %lt3A_186 = arith.cmpf olt, %select_n3A_183, %lt3A_185 : vector<4352x1xf32>
      %lt3A_187 = arith.cmpf olt, %select_n3A_183, %dot_general3A_161 : vector<4352x1xf32>
      %and3A_188 = arith.andi %lt3A_186, %lt3A_187 : vector<4352x1xi1>
      %lt3A_189 = arith.constant 4104 : i32
      %lt3A_190 = vector.broadcast %lt3A_189 : i32 to vector<4352x1xi32>
      %lt3A_191 = arith.cmpi slt, %iota3A_113, %lt3A_190 : vector<4352x1xi32>
      %and3A_192 = arith.andi %and3A_188, %lt3A_191 : vector<4352x1xi1>
      %jit3A_193 = arith.constant 1.000000e+00 : f32
      %jit3A_194 = arith.constant 0.000000e+00 : f32
      %broadcast_in_dim3A_195 = vector.broadcast %jit3A_193 : f32 to vector<4352x1xf32>
      %broadcast_in_dim3A_196 = vector.broadcast %jit3A_194 : f32 to vector<4352x1xf32>
      %select_n3A_197 = arith.select %and3A_192, %broadcast_in_dim3A_195, %broadcast_in_dim3A_196 : vector<4352x1xi1>, vector<4352x1xf32>
      %mul3A_198 = arith.constant 10 : i32
      %mul3A_199 = vector.broadcast %mul3A_198 : i32 to vector<4352x1xi32>
      %mul3A_200 = arith.muli %min3A_143, %mul3A_199 : vector<4352x1xi32>
      %min3A_201 = arith.constant 9.000000e+00 : f32
      %min3A_202 = vector.broadcast %min3A_201 : f32 to vector<4352x1xf32>
      %min3A_203 = arith.minimumf %select_n3A_183, %min3A_202 : vector<4352x1xf32>
      %convert_element_type3A_204 = arith.fptosi %min3A_203 : vector<4352x1xf32> to vector<4352x1xi32>
      %add3A_205 = arith.addi %mul3A_200, %convert_element_type3A_204 : vector<4352x1xi32>
      %iota3A_206 = tpu.iota {dimensions = array<i32: 1>} : vector<4352x192xi32>
      %eq3A_207 = vector.broadcast %add3A_205 : vector<4352x1xi32> to vector<4352x192xi32>
      %eq3A_208 = arith.cmpi eq, %eq3A_207, %iota3A_206 : vector<4352x192xi32>
      %jit3A_209 = arith.constant 1.000000e+00 : f32
      %jit3A_210 = arith.constant 0.000000e+00 : f32
      %broadcast_in_dim3A_211 = vector.broadcast %jit3A_209 : f32 to vector<4352x192xf32>
      %broadcast_in_dim3A_212 = vector.broadcast %jit3A_210 : f32 to vector<4352x192xf32>
      %select_n3A_213 = arith.select %eq3A_208, %broadcast_in_dim3A_211, %broadcast_in_dim3A_212 : vector<4352x192xi1>, vector<4352x192xf32>
      %get3A_214 = arith.constant 0 : index
      %get3A_215 = arith.constant 0 : index
      %get3A_216 = vector.load %arg10[%get3A_214, %get3A_215] : memref<192x256xf32, #tpu.memory_space<vmem>>, vector<192x256xf32>
      %dot_general3A_217 = arith.constant dense<0.000000e+00> : vector<4352x256xf32>
      %dot_general3A_218 = tpu.matmul %select_n3A_213, %get3A_216, %dot_general3A_217 {dimension_numbers = #tpu.dot_dimension_numbers<[1], [0], [0], [1], [0, 0, 1, 1], [], []>, transpose_lhs_hint = false} : vector<4352x192xf32>, vector<192x256xf32>, vector<4352x256xf32> -> vector<4352x256xf32>
      %get3A_219 = arith.constant 0 : index
      %get3A_220 = arith.constant 0 : index
      %get3A_221 = vector.load %arg3[%get3A_219, %get3A_220] : memref<4352x256xf32, #tpu.memory_space<vmem>>, vector<4352x256xf32>
      %get3A_222 = arith.constant 0 : index
      %get3A_223 = arith.constant 0 : index
      %get3A_224 = vector.load %arg3[%get3A_222, %get3A_223] : memref<4352x256xf32, #tpu.memory_space<vmem>>, vector<4352x256xf32>
      %sub3A_225 = arith.subf %dot_general3A_218, %get3A_224 : vector<4352x256xf32>
      %mul3A_226 = vector.broadcast %select_n3A_197 : vector<4352x1xf32> to vector<4352x256xf32>
      %mul3A_227 = arith.mulf %mul3A_226, %sub3A_225 : vector<4352x256xf32>
      %add3A_228 = arith.addf %get3A_221, %mul3A_227 : vector<4352x256xf32>
      %swap3A_229 = arith.constant 0 : index
      %swap3A_230 = arith.constant 0 : index
      %swap3A_231 = vector.load %arg15[%swap3A_229, %swap3A_230] : memref<4352x256xf32, #tpu.memory_space<vmem>>, vector<4352x256xf32>
      tpu.vector_store %arg15[%swap3A_229, %swap3A_230], %add3A_228 {strides = array<i32>} : memref<4352x256xf32, #tpu.memory_space<vmem>>, vector<4352x256xf32>,
      %iota3A_232 = tpu.iota {dimensions = array<i32: 0>} : vector<1280x1xi32>
      %jit3A_233 = arith.constant 54 : i32
      %div3A_234 = vector.broadcast %jit3A_233 : i32 to vector<1280x1xi32>
      %div3A_235 = arith.divsi %iota3A_232, %div3A_234 : vector<1280x1xi32>
      %sign3A_236 = arith.constant 0 : i32
      %sign3A_237 = vector.broadcast %sign3A_236 : i32 to vector<1280x1xi32>
      %sign3A_238 = arith.cmpi sgt, %iota3A_232, %sign3A_237 : vector<1280x1xi32>
      %sign3A_239 = arith.extui %sign3A_238 : vector<1280x1xi1> to vector<1280x1xi32>
      %sign3A_240 = arith.constant 0 : i32
      %sign3A_241 = vector.broadcast %sign3A_240 : i32 to vector<1280x1xi32>
      %sign3A_242 = arith.cmpi slt, %iota3A_232, %sign3A_241 : vector<1280x1xi32>
      %sign3A_243 = arith.extui %sign3A_242 : vector<1280x1xi1> to vector<1280x1xi32>
      %sign3A_244 = arith.subi %sign3A_239, %sign3A_243 : vector<1280x1xi32>
      %sign3A_245 = arith.constant 0 : i32
      %sign3A_246 = arith.cmpi sgt, %jit3A_233, %sign3A_245 : i32
      %sign3A_247 = arith.extui %sign3A_246 : i1 to i32
      %sign3A_248 = arith.constant 0 : i32
      %sign3A_249 = arith.cmpi slt, %jit3A_233, %sign3A_248 : i32
      %sign3A_250 = arith.extui %sign3A_249 : i1 to i32
      %sign3A_251 = arith.subi %sign3A_247, %sign3A_250 : i32
      %ne3A_252 = vector.broadcast %sign3A_251 : i32 to vector<1280x1xi32>
      %ne3A_253 = arith.cmpi ne, %sign3A_244, %ne3A_252 : vector<1280x1xi32>
      %rem3A_254 = vector.broadcast %jit3A_233 : i32 to vector<1280x1xi32>
      %rem3A_255 = arith.remsi %iota3A_232, %rem3A_254 : vector<1280x1xi32>
      %ne3A_256 = arith.constant 0 : i32
      %ne3A_257 = vector.broadcast %ne3A_256 : i32 to vector<1280x1xi32>
      %ne3A_258 = arith.cmpi ne, %rem3A_255, %ne3A_257 : vector<1280x1xi32>
      %and3A_259 = arith.andi %ne3A_253, %ne3A_258 : vector<1280x1xi1>
      %sub3A_260 = arith.constant 1 : i32
      %sub3A_261 = vector.broadcast %sub3A_260 : i32 to vector<1280x1xi32>
      %sub3A_262 = arith.subi %div3A_235, %sub3A_261 : vector<1280x1xi32>
      %select_n3A_263 = arith.select %and3A_259, %sub3A_262, %div3A_235 : vector<1280x1xi1>, vector<1280x1xi32>
      %min3A_264 = arith.constant 18 : i32
      %min3A_265 = vector.broadcast %min3A_264 : i32 to vector<1280x1xi32>
      %min3A_266 = arith.minsi %select_n3A_263, %min3A_265 : vector<1280x1xi32>
      %iota3A_267 = tpu.iota {dimensions = array<i32: 1>} : vector<1280x19xi32>
      %eq3A_268 = vector.broadcast %min3A_266 : vector<1280x1xi32> to vector<1280x19xi32>
      %eq3A_269 = arith.cmpi eq, %eq3A_268, %iota3A_267 : vector<1280x19xi32>
      %jit3A_270 = arith.constant 1.000000e+00 : f32
      %jit3A_271 = arith.constant 0.000000e+00 : f32
      %broadcast_in_dim3A_272 = vector.broadcast %jit3A_270 : f32 to vector<1280x19xf32>
      %broadcast_in_dim3A_273 = vector.broadcast %jit3A_271 : f32 to vector<1280x19xf32>
      %select_n3A_274 = arith.select %eq3A_269, %broadcast_in_dim3A_272, %broadcast_in_dim3A_273 : vector<1280x19xi1>, vector<1280x19xf32>
      %get3A_275 = arith.constant 0 : index
      %get3A_276 = arith.constant 0 : index
      %get3A_277 = vector.load %arg8[%get3A_275, %get3A_276] : memref<19x1xf32, #tpu.memory_space<vmem>>, vector<19x1xf32>
      %dot_general3A_278 = arith.constant dense<0.000000e+00> : vector<1280x1xf32>
      %dot_general3A_279 = tpu.matmul %select_n3A_274, %get3A_277, %dot_general3A_278 {dimension_numbers = #tpu.dot_dimension_numbers<[1], [0], [0], [1], [0, 0, 1, 1], [], []>, transpose_lhs_hint = false} : vector<1280x19xf32>, vector<19x1xf32>, vector<1280x1xf32> -> vector<1280x1xf32>
      %get3A_280 = arith.constant 0 : index
      %get3A_281 = arith.constant 0 : index
      %get3A_282 = vector.load %arg9[%get3A_280, %get3A_281] : memref<19x1xf32, #tpu.memory_space<vmem>>, vector<19x1xf32>
      %dot_general3A_283 = arith.constant dense<0.000000e+00> : vector<1280x1xf32>
      %dot_general3A_284 = tpu.matmul %select_n3A_274, %get3A_282, %dot_general3A_283 {dimension_numbers = #tpu.dot_dimension_numbers<[1], [0], [0], [1], [0, 0, 1, 1], [], []>, transpose_lhs_hint = false} : vector<1280x19xf32>, vector<19x1xf32>, vector<1280x1xf32> -> vector<1280x1xf32>
      %get3A_285 = arith.constant 0 : index
      %get3A_286 = arith.constant 0 : index
      %get3A_287 = vector.load %arg6[%get3A_285, %get3A_286] : memref<1280x1xf32, #tpu.memory_space<vmem>>, vector<1280x1xf32>
      %eq3A_288 = arith.cmpf oeq, %get3A_287, %dot_general3A_279 : vector<1280x1xf32>
      %gt3A = arith.constant 0.000000e+00 : f32
      %gt3A_289 = vector.broadcast %gt3A : f32 to vector<1280x1xf32>
      %gt3A_290 = arith.cmpf ogt, %dot_general3A_284, %gt3A_289 : vector<1280x1xf32>
      %and3A_291 = arith.andi %eq3A_288, %gt3A_290 : vector<1280x1xi1>
      %lt3A_292 = arith.constant 1026 : i32
      %lt3A_293 = vector.broadcast %lt3A_292 : i32 to vector<1280x1xi32>
      %lt3A_294 = arith.cmpi slt, %iota3A_232, %lt3A_293 : vector<1280x1xi32>
      %and3A_295 = arith.andi %and3A_291, %lt3A_294 : vector<1280x1xi1>
      %jit3A_296 = arith.constant 1.000000e+00 : f32
      %jit3A_297 = arith.constant 0.000000e+00 : f32
      %broadcast_in_dim3A_298 = vector.broadcast %jit3A_296 : f32 to vector<1280x1xf32>
      %broadcast_in_dim3A_299 = vector.broadcast %jit3A_297 : f32 to vector<1280x1xf32>
      %select_n3A_300 = arith.select %and3A_295, %broadcast_in_dim3A_298, %broadcast_in_dim3A_299 : vector<1280x1xi1>, vector<1280x1xf32>
      %get3A_301 = arith.constant 0 : index
      %get3A_302 = arith.constant 0 : index
      %get3A_303 = vector.load %arg11[%get3A_301, %get3A_302] : memref<19x256xf32, #tpu.memory_space<vmem>>, vector<19x256xf32>
      %dot_general3A_304 = arith.constant dense<0.000000e+00> : vector<1280x256xf32>
      %dot_general3A_305 = tpu.matmul %select_n3A_274, %get3A_303, %dot_general3A_304 {dimension_numbers = #tpu.dot_dimension_numbers<[1], [0], [0], [1], [0, 0, 1, 1], [], []>, transpose_lhs_hint = false} : vector<1280x19xf32>, vector<19x256xf32>, vector<1280x256xf32> -> vector<1280x256xf32>
      %get3A_306 = arith.constant 0 : index
      %get3A_307 = arith.constant 0 : index
      %get3A_308 = vector.load %arg4[%get3A_306, %get3A_307] : memref<1280x256xf32, #tpu.memory_space<vmem>>, vector<1280x256xf32>
      %get3A_309 = arith.constant 0 : index
      %get3A_310 = arith.constant 0 : index
      %get3A_311 = vector.load %arg4[%get3A_309, %get3A_310] : memref<1280x256xf32, #tpu.memory_space<vmem>>, vector<1280x256xf32>
      %sub3A_312 = arith.subf %dot_general3A_305, %get3A_311 : vector<1280x256xf32>
      %mul3A_313 = vector.broadcast %select_n3A_300 : vector<1280x1xf32> to vector<1280x256xf32>
      %mul3A_314 = arith.mulf %mul3A_313, %sub3A_312 : vector<1280x256xf32>
      %add3A_315 = arith.addf %get3A_308, %mul3A_314 : vector<1280x256xf32>
      %swap3A_316 = arith.constant 0 : index
      %swap3A_317 = arith.constant 0 : index
      %swap3A_318 = vector.load %arg16[%swap3A_316, %swap3A_317] : memref<1280x256xf32, #tpu.memory_space<vmem>>, vector<1280x256xf32>
      tpu.vector_store %arg16[%swap3A_316, %swap3A_317], %add3A_315 {strides = array<i32>} : memref<1280x256xf32, #tpu.memory_space<vmem>>, vector<1280x256xf32>,
      %swap3A_319 = arith.constant 0.000000e+00 : f32
      %swap3A_320 = arith.constant 0 : index
      %swap3A_321 = memref.load %arg17[%swap3A_320] : memref<4xf32, #tpu.memory_space<smem>>
      memref.store %swap3A_319, %arg17[%swap3A_320] : memref<4xf32, #tpu.memory_space<smem>>
      %swap3A_322 = arith.constant 0.000000e+00 : f32
      %swap3A_323 = arith.constant 1 : index
      %swap3A_324 = memref.load %arg17[%swap3A_323] : memref<4xf32, #tpu.memory_space<smem>>
      memref.store %swap3A_322, %arg17[%swap3A_323] : memref<4xf32, #tpu.memory_space<smem>>
      %swap3A_325 = arith.constant 0.000000e+00 : f32
      %swap3A_326 = arith.constant 2 : index
      %swap3A_327 = memref.load %arg17[%swap3A_326] : memref<4xf32, #tpu.memory_space<smem>>
      memref.store %swap3A_325, %arg17[%swap3A_326] : memref<4xf32, #tpu.memory_space<smem>>
    } else {
    }
    %get3A = arith.constant 0 : index
    %get3A_2 = arith.constant 0 : index
    %get3A_3 = vector.load %arg1[%get3A, %get3A_2] : memref<256x256xf32, #tpu.memory_space<vmem>>, vector<256x256xf32>
    %get3A_4 = arith.constant 0 : index
    %get3A_5 = arith.constant 0 : index
    %get3A_6 = vector.load %arg2[%get3A_4, %get3A_5] : memref<256x256xf32, #tpu.memory_space<vmem>>, vector<256x256xf32>
    %concatenate3A = tpu.concatenate %get3A_3, %get3A_6 in 0 : vector<256x256xf32>, vector<256x256xf32> -> vector<512x256xf32>
    %get3A_7 = arith.constant 0 : index
    %get3A_8 = arith.constant 0 : index
    %get3A_9 = vector.load %arg12[%get3A_7, %get3A_8] : memref<256x1xf32, #tpu.memory_space<vmem>>, vector<256x1xf32>
    %ne3A = arith.constant 2.550000e+02 : f32
    %ne3A_10 = vector.broadcast %ne3A : f32 to vector<256x1xf32>
    %ne3A_11 = arith.cmpf one, %get3A_9, %ne3A_10 : vector<256x1xf32>
    %jit3A = arith.constant 1.000000e+00 : f32
    %jit3A_12 = arith.constant 0.000000e+00 : f32
    %broadcast_in_dim3A = vector.broadcast %jit3A : f32 to vector<256x1xf32>
    %broadcast_in_dim3A_13 = vector.broadcast %jit3A_12 : f32 to vector<256x1xf32>
    %select_n3A = arith.select %ne3A_11, %broadcast_in_dim3A, %broadcast_in_dim3A_13 : vector<256x1xi1>, vector<256x1xf32>
    %get3A_14 = arith.constant 0 : index
    %get3A_15 = arith.constant 0 : index
    %get3A_16 = vector.load %arg15[%get3A_14, %get3A_15] : memref<4352x256xf32, #tpu.memory_space<vmem>>, vector<4352x256xf32>
    %iota3A = tpu.iota {dimensions = array<i32: 1>} : vector<1x4352xi32>
    %lt3A = arith.constant 4104 : i32
    %lt3A_17 = vector.broadcast %lt3A : i32 to vector<1x4352xi32>
    %lt3A_18 = arith.cmpi slt, %iota3A, %lt3A_17 : vector<1x4352xi32>
    %dot_general3A = arith.constant dense<0.000000e+00> : vector<512x4352xf32>
    %dot_general3A_19 = tpu.matmul %concatenate3A, %get3A_16, %dot_general3A {dimension_numbers = #tpu.dot_dimension_numbers<[1], [1], [0], [0], [0, 0, 1, 0], [], []>, transpose_lhs_hint = false} : vector<512x256xf32>, vector<4352x256xf32>, vector<512x4352xf32> -> vector<512x4352xf32>
    %mul3A = arith.constant 1.000000e+01 : f32
    %mul3A_20 = vector.broadcast %mul3A : f32 to vector<512x4352xf32>
    %mul3A_21 = arith.mulf %dot_general3A_19, %mul3A_20 : vector<512x4352xf32>
    %jit3A_22 = arith.constant -1.200000e+04 : f32
    %broadcast_in_dim3A_23 = vector.shape_cast %lt3A_18 : vector<1x4352xi1> to vector<1x4352xi1>
    %broadcast_in_dim3A_24 = vector.broadcast %broadcast_in_dim3A_23 : vector<1x4352xi1> to vector<512x4352xi1>
    %broadcast_in_dim3A_25 = vector.broadcast %jit3A_22 : f32 to vector<512x4352xf32>
    %select_n3A_26 = arith.select %broadcast_in_dim3A_24, %mul3A_21, %broadcast_in_dim3A_25 : vector<512x4352xi1>, vector<512x4352xf32>
    %slice3A = vector.extract_strided_slice %select_n3A_26 {offsets = [0, 0], sizes = [256, 4352], strides = [1, 1]} : vector<512x4352xf32> to vector<256x4352xf32>
    %slice3A_27 = vector.extract_strided_slice %select_n3A_26 {offsets = [256, 0], sizes = [256, 4352], strides = [1, 1]} : vector<512x4352xf32> to vector<256x4352xf32>
    %exp3A = math.exp %slice3A_27 : vector<256x4352xf32>
    %exp3A_28 = math.exp %slice3A : vector<256x4352xf32>
    %reduce_sum3A = arith.constant dense<0.000000e+00> : vector<256xf32>
    %reduce_sum3A_29 = vector.multi_reduction <add>, %exp3A_28, %reduce_sum3A [1] : vector<256x4352xf32> to vector<256xf32>
    %broadcast_in_dim3A_30 = vector.shape_cast %reduce_sum3A_29 : vector<256xf32> to vector<256x1xf32>
    %reduce_sum3A_31 = arith.constant dense<0.000000e+00> : vector<256xf32>
    %reduce_sum3A_32 = vector.multi_reduction <add>, %exp3A, %reduce_sum3A_31 [1] : vector<256x4352xf32> to vector<256xf32>
    %broadcast_in_dim3A_33 = vector.shape_cast %reduce_sum3A_32 : vector<256xf32> to vector<256x1xf32>
    %sub3A = arith.subf %slice3A_27, %slice3A : vector<256x4352xf32>
    %mul3A_34 = arith.mulf %exp3A, %sub3A : vector<256x4352xf32>
    %reduce_sum3A_35 = arith.constant dense<0.000000e+00> : vector<256xf32>
    %reduce_sum3A_36 = vector.multi_reduction <add>, %mul3A_34, %reduce_sum3A_35 [1] : vector<256x4352xf32> to vector<256xf32>
    %broadcast_in_dim3A_37 = vector.shape_cast %reduce_sum3A_36 : vector<256xf32> to vector<256x1xf32>
    %div3A = arith.divf %broadcast_in_dim3A_37, %broadcast_in_dim3A_33 : vector<256x1xf32>
    %log3A = math.log %broadcast_in_dim3A_30 : vector<256x1xf32>
    %add3A = arith.addf %div3A, %log3A : vector<256x1xf32>
    %log3A_38 = math.log %broadcast_in_dim3A_33 : vector<256x1xf32>
    %sub3A_39 = arith.subf %add3A, %log3A_38 : vector<256x1xf32>
    %mul3A_40 = arith.mulf %sub3A_39, %select_n3A : vector<256x1xf32>
    %reduce_sum3A_41 = vector.shape_cast %mul3A_40 : vector<256x1xf32> to vector<1x256x1xf32>
    %reduce_sum3A_42 = arith.constant dense<0.000000e+00> : vector<1xf32>
    %reduce_sum3A_43 = vector.multi_reduction <add>, %reduce_sum3A_41, %reduce_sum3A_42 [1, 2] : vector<1x256x1xf32> to vector<1xf32>
    %reduce_sum3A_44 = vector.shape_cast %reduce_sum3A_43 : vector<1xf32> to vector<1x1x1xf32>
    %reduce_sum3A_45 = vector.extract %reduce_sum3A_44[0, 0, 0] : f32 from vector<1x1x1xf32>
    %get3A_46 = arith.constant 0 : index
    %get3A_47 = arith.constant 0 : index
    %get3A_48 = vector.load %arg16[%get3A_46, %get3A_47] : memref<1280x256xf32, #tpu.memory_space<vmem>>, vector<1280x256xf32>
    %iota3A_49 = tpu.iota {dimensions = array<i32: 1>} : vector<1x1280xi32>
    %lt3A_50 = arith.constant 1026 : i32
    %lt3A_51 = vector.broadcast %lt3A_50 : i32 to vector<1x1280xi32>
    %lt3A_52 = arith.cmpi slt, %iota3A_49, %lt3A_51 : vector<1x1280xi32>
    %dot_general3A_53 = arith.constant dense<0.000000e+00> : vector<512x1280xf32>
    %dot_general3A_54 = tpu.matmul %concatenate3A, %get3A_48, %dot_general3A_53 {dimension_numbers = #tpu.dot_dimension_numbers<[1], [1], [0], [0], [0, 0, 1, 0], [], []>, transpose_lhs_hint = false} : vector<512x256xf32>, vector<1280x256xf32>, vector<512x1280xf32> -> vector<512x1280xf32>
    %mul3A_55 = arith.constant 1.000000e+01 : f32
    %mul3A_56 = vector.broadcast %mul3A_55 : f32 to vector<512x1280xf32>
    %mul3A_57 = arith.mulf %dot_general3A_54, %mul3A_56 : vector<512x1280xf32>
    %jit3A_58 = arith.constant -1.200000e+04 : f32
    %broadcast_in_dim3A_59 = vector.shape_cast %lt3A_52 : vector<1x1280xi1> to vector<1x1280xi1>
    %broadcast_in_dim3A_60 = vector.broadcast %broadcast_in_dim3A_59 : vector<1x1280xi1> to vector<512x1280xi1>
    %broadcast_in_dim3A_61 = vector.broadcast %jit3A_58 : f32 to vector<512x1280xf32>
    %select_n3A_62 = arith.select %broadcast_in_dim3A_60, %mul3A_57, %broadcast_in_dim3A_61 : vector<512x1280xi1>, vector<512x1280xf32>
    %slice3A_63 = vector.extract_strided_slice %select_n3A_62 {offsets = [0, 0], sizes = [256, 1280], strides = [1, 1]} : vector<512x1280xf32> to vector<256x1280xf32>
    %slice3A_64 = vector.extract_strided_slice %select_n3A_62 {offsets = [256, 0], sizes = [256, 1280], strides = [1, 1]} : vector<512x1280xf32> to vector<256x1280xf32>
    %exp3A_65 = math.exp %slice3A_64 : vector<256x1280xf32>
    %exp3A_66 = math.exp %slice3A_63 : vector<256x1280xf32>
    %reduce_sum3A_67 = arith.constant dense<0.000000e+00> : vector<256xf32>
    %reduce_sum3A_68 = vector.multi_reduction <add>, %exp3A_66, %reduce_sum3A_67 [1] : vector<256x1280xf32> to vector<256xf32>
    %broadcast_in_dim3A_69 = vector.shape_cast %reduce_sum3A_68 : vector<256xf32> to vector<256x1xf32>
    %reduce_sum3A_70 = arith.constant dense<0.000000e+00> : vector<256xf32>
    %reduce_sum3A_71 = vector.multi_reduction <add>, %exp3A_65, %reduce_sum3A_70 [1] : vector<256x1280xf32> to vector<256xf32>
    %broadcast_in_dim3A_72 = vector.shape_cast %reduce_sum3A_71 : vector<256xf32> to vector<256x1xf32>
    %sub3A_73 = arith.subf %slice3A_64, %slice3A_63 : vector<256x1280xf32>
    %mul3A_74 = arith.mulf %exp3A_65, %sub3A_73 : vector<256x1280xf32>
    %reduce_sum3A_75 = arith.constant dense<0.000000e+00> : vector<256xf32>
    %reduce_sum3A_76 = vector.multi_reduction <add>, %mul3A_74, %reduce_sum3A_75 [1] : vector<256x1280xf32> to vector<256xf32>
    %broadcast_in_dim3A_77 = vector.shape_cast %reduce_sum3A_76 : vector<256xf32> to vector<256x1xf32>
    %div3A_78 = arith.divf %broadcast_in_dim3A_77, %broadcast_in_dim3A_72 : vector<256x1xf32>
    %log3A_79 = math.log %broadcast_in_dim3A_69 : vector<256x1xf32>
    %add3A_80 = arith.addf %div3A_78, %log3A_79 : vector<256x1xf32>
    %log3A_81 = math.log %broadcast_in_dim3A_72 : vector<256x1xf32>
    %sub3A_82 = arith.subf %add3A_80, %log3A_81 : vector<256x1xf32>
    %mul3A_83 = arith.mulf %sub3A_82, %select_n3A : vector<256x1xf32>
    %reduce_sum3A_84 = vector.shape_cast %mul3A_83 : vector<256x1xf32> to vector<1x256x1xf32>
    %reduce_sum3A_85 = arith.constant dense<0.000000e+00> : vector<1xf32>
    %reduce_sum3A_86 = vector.multi_reduction <add>, %reduce_sum3A_84, %reduce_sum3A_85 [1, 2] : vector<1x256x1xf32> to vector<1xf32>
    %reduce_sum3A_87 = vector.shape_cast %reduce_sum3A_86 : vector<1xf32> to vector<1x1x1xf32>
    %reduce_sum3A_88 = vector.extract %reduce_sum3A_87[0, 0, 0] : f32 from vector<1x1x1xf32>
    %get3A_89 = arith.constant 0 : index
    %get3A_90 = memref.load %arg17[%get3A_89] : memref<4xf32, #tpu.memory_space<smem>>
    %add3A_91 = arith.addf %get3A_90, %reduce_sum3A_45 : f32
    %swap3A = arith.constant 0 : index
    %swap3A_92 = memref.load %arg17[%swap3A] : memref<4xf32, #tpu.memory_space<smem>>
    memref.store %add3A_91, %arg17[%swap3A] : memref<4xf32, #tpu.memory_space<smem>>
    %get3A_93 = arith.constant 1 : index
    %get3A_94 = memref.load %arg17[%get3A_93] : memref<4xf32, #tpu.memory_space<smem>>
    %add3A_95 = arith.addf %get3A_94, %reduce_sum3A_88 : f32
    %swap3A_96 = arith.constant 1 : index
    %swap3A_97 = memref.load %arg17[%swap3A_96] : memref<4xf32, #tpu.memory_space<smem>>
    memref.store %add3A_95, %arg17[%swap3A_96] : memref<4xf32, #tpu.memory_space<smem>>
    %get3A_98 = arith.constant 2 : index
    %get3A_99 = memref.load %arg17[%get3A_98] : memref<4xf32, #tpu.memory_space<smem>>
    %reduce_sum3A_100 = vector.shape_cast %select_n3A : vector<256x1xf32> to vector<1x256x1xf32>
    %reduce_sum3A_101 = arith.constant dense<0.000000e+00> : vector<1xf32>
    %reduce_sum3A_102 = vector.multi_reduction <add>, %reduce_sum3A_100, %reduce_sum3A_101 [1, 2] : vector<1x256x1xf32> to vector<1xf32>
    %reduce_sum3A_103 = vector.shape_cast %reduce_sum3A_102 : vector<1xf32> to vector<1x1x1xf32>
    %reduce_sum3A_104 = vector.extract %reduce_sum3A_103[0, 0, 0] : f32 from vector<1x1x1xf32>
    %add3A_105 = arith.addf %get3A_99, %reduce_sum3A_104 : f32
    %swap3A_106 = arith.constant 2 : index
    %swap3A_107 = memref.load %arg17[%swap3A_106] : memref<4xf32, #tpu.memory_space<smem>>
    memref.store %add3A_105, %arg17[%swap3A_106] : memref<4xf32, #tpu.memory_space<smem>>
    %eq3A_108 = arith.constant 3 : i32
    %eq3A_109 = arith.cmpi eq, %arg0, %eq3A_108 : i32
    %convert_element_type3A_110 = arith.extui %eq3A_109 : i1 to i32
    %cond3A_111 = arith.constant 0 : i32
    %cond3A_112 = arith.cmpi ne, %convert_element_type3A_110, %cond3A_111 : i32
    scf.if %cond3A_112 {
      %get3A_113 = arith.constant 2 : index
      %get3A_114 = memref.load %arg17[%get3A_113] : memref<4xf32, #tpu.memory_space<smem>>
      %max3A = arith.constant 1.000000e+00 : f32
      %max3A_115 = arith.maximumf %get3A_114, %max3A : f32
      %get3A_116 = arith.constant 0 : index
      %get3A_117 = memref.load %arg17[%get3A_116] : memref<4xf32, #tpu.memory_space<smem>>
      %div3A_118 = arith.divf %get3A_117, %max3A_115 : f32
      %mul3A_119 = arith.constant 1.000000e+00 : f32
      %mul3A_120 = arith.mulf %div3A_118, %mul3A_119 : f32
      %mul3A_121 = arith.constant 1.000000e-01 : f32
      %mul3A_122 = arith.mulf %mul3A_120, %mul3A_121 : f32
      %broadcast_in_dim3A_123 = vector.broadcast %mul3A_122 : f32 to vector<1x1xf32>
      %swap3A_124 = arith.constant 0 : index
      %swap3A_125 = arith.constant 0 : index
      %swap3A_126 = vector.load %arg13[%swap3A_124, %swap3A_125] : memref<1x1xf32, #tpu.memory_space<vmem>>, vector<1x1xf32>
      tpu.vector_store %arg13[%swap3A_124, %swap3A_125], %broadcast_in_dim3A_123 {strides = array<i32>} : memref<1x1xf32, #tpu.memory_space<vmem>>, vector<1x1xf32>,
      %get3A_127 = arith.constant 1 : index
      %get3A_128 = memref.load %arg17[%get3A_127] : memref<4xf32, #tpu.memory_space<smem>>
      %div3A_129 = arith.divf %get3A_128, %max3A_115 : f32
      %mul3A_130 = arith.constant 1.000000e+00 : f32
      %mul3A_131 = arith.mulf %div3A_129, %mul3A_130 : f32
      %mul3A_132 = arith.constant 1.000000e-01 : f32
      %mul3A_133 = arith.mulf %mul3A_131, %mul3A_132 : f32
      %broadcast_in_dim3A_134 = vector.broadcast %mul3A_133 : f32 to vector<1x1xf32>
      %swap3A_135 = arith.constant 0 : index
      %swap3A_136 = arith.constant 0 : index
      %swap3A_137 = vector.load %arg14[%swap3A_135, %swap3A_136] : memref<1x1xf32, #tpu.memory_space<vmem>>, vector<1x1xf32>
      tpu.vector_store %arg14[%swap3A_135, %swap3A_136], %broadcast_in_dim3A_134 {strides = array<i32>} : memref<1x1xf32, #tpu.memory_space<vmem>>, vector<1x1xf32>,
    } else {
    }
    return
  }
  func.func @transform_0(%arg0: i32) -> (i32, i32) {
    %c0_i32 = arith.constant 0 : i32
    %c0_i32_0 = arith.constant 0 : i32
    return %arg0, %c0_i32 : i32, i32
  }
  func.func @transform_1(%arg0: i32) -> (i32, i32) {
    %c0_i32 = arith.constant 0 : i32
    %c0_i32_0 = arith.constant 0 : i32
    return %arg0, %c0_i32 : i32, i32
  }
  func.func @transform_2(%arg0: i32) -> (i32, i32) {
    %c0_i32 = arith.constant 0 : i32
    %c0_i32_0 = arith.constant 0 : i32
    %c0_i32_1 = arith.constant 0 : i32
    return %c0_i32, %c0_i32_0 : i32, i32
  }
  func.func @transform_3(%arg0: i32) -> (i32, i32) {
    %c0_i32 = arith.constant 0 : i32
    %c0_i32_0 = arith.constant 0 : i32
    %c0_i32_1 = arith.constant 0 : i32
    return %c0_i32, %c0_i32_0 : i32, i32
  }
  func.func @transform_4(%arg0: i32) -> (i32, i32) {
    %c0_i32 = arith.constant 0 : i32
    %c0_i32_0 = arith.constant 0 : i32
    %c0_i32_1 = arith.constant 0 : i32
    return %c0_i32, %c0_i32_0 : i32, i32
  }
  func.func @transform_5(%arg0: i32) -> (i32, i32) {
    %c0_i32 = arith.constant 0 : i32
    %c0_i32_0 = arith.constant 0 : i32
    %c0_i32_1 = arith.constant 0 : i32
    return %c0_i32, %c0_i32_0 : i32, i32
  }
  func.func @transform_6(%arg0: i32) -> (i32, i32) {
    %c0_i32 = arith.constant 0 : i32
    %c0_i32_0 = arith.constant 0 : i32
    %c0_i32_1 = arith.constant 0 : i32
    return %c0_i32, %c0_i32_0 : i32, i32
  }
  func.func @transform_7(%arg0: i32) -> (i32, i32) {
    %c0_i32 = arith.constant 0 : i32
    %c0_i32_0 = arith.constant 0 : i32
    %c0_i32_1 = arith.constant 0 : i32
    return %c0_i32, %c0_i32_0 : i32, i32
  }
  func.func @transform_8(%arg0: i32) -> (i32, i32) {
    %c0_i32 = arith.constant 0 : i32
    %c0_i32_0 = arith.constant 0 : i32
    %c0_i32_1 = arith.constant 0 : i32
    return %c0_i32, %c0_i32_0 : i32, i32
  }
  func.func @transform_9(%arg0: i32) -> (i32, i32) {
    %c0_i32 = arith.constant 0 : i32
    %c0_i32_0 = arith.constant 0 : i32
    %c0_i32_1 = arith.constant 0 : i32
    return %c0_i32, %c0_i32_0 : i32, i32
  }
  func.func @transform_10(%arg0: i32) -> (i32, i32) {
    %c0_i32 = arith.constant 0 : i32
    %c0_i32_0 = arith.constant 0 : i32
    %c0_i32_1 = arith.constant 0 : i32
    return %c0_i32, %c0_i32_0 : i32, i32
  }
  func.func @transform_11(%arg0: i32) -> (i32, i32) {
    %c0_i32 = arith.constant 0 : i32
    %c0_i32_0 = arith.constant 0 : i32
    return %arg0, %c0_i32 : i32, i32
  }
  func.func @transform_12(%arg0: i32) -> (i32, i32) {
    %c0_i32 = arith.constant 0 : i32
    %c0_i32_0 = arith.constant 0 : i32
    %c0_i32_1 = arith.constant 0 : i32
    return %c0_i32, %c0_i32_0 : i32, i32
  }
  func.func @transform_13(%arg0: i32) -> (i32, i32) {
    %c0_i32 = arith.constant 0 : i32
    %c0_i32_0 = arith.constant 0 : i32
    %c0_i32_1 = arith.constant 0 : i32
    return %c0_i32, %c0_i32_0 : i32, i32
  }
}

module attributes {stable_mosaic.version = 14 : i64} {
  func.func @_prep_body(%arg0: i32, %arg1: memref<1x1x64x512xi32, #tpu.memory_space<vmem>>, %arg2: memref<512x512xf32, #tpu.memory_space<vmem>>, %arg3: memref<512x256xf32, #tpu.memory_space<vmem>>, %arg4: memref<256x512xf32, #tpu.memory_space<vmem>>, %arg5: memref<1x256xf32, #tpu.memory_space<vmem>>, %arg6: memref<1x256xf32, #tpu.memory_space<vmem>>, %arg7: memref<256x256xf32, #tpu.memory_space<vmem>>, %arg8: memref<1024x256xf32, #tpu.memory_space<vmem>>, %arg9: memref<1024x256xf32, #tpu.memory_space<vmem>>, %arg10: memref<19x256xf32, #tpu.memory_space<vmem>>, %arg11: memref<192x256xf32, #tpu.memory_space<vmem>>, %arg12: memref<19x1xf32, #tpu.memory_space<vmem>>, %arg13: memref<1024x1xf32, #tpu.memory_space<vmem>>, %arg14: memref<1024x256xf32, #tpu.memory_space<vmem>>, %arg15: memref<1024x256xf32, #tpu.memory_space<vmem>>, %arg16: memref<1024x1xf32, #tpu.memory_space<vmem>>, %arg17: memref<1x256xf32, #tpu.memory_space<vmem>>, %arg18: memref<1x256xf32, #tpu.memory_space<vmem>>, %arg19: memref<19x256xf32, #tpu.memory_space<vmem>>, %arg20: memref<192x256xf32, #tpu.memory_space<vmem>>, %arg21: memref<1x19xf32, #tpu.memory_space<vmem>>, %arg22: memref<19x1xf32, #tpu.memory_space<vmem>>, %arg23: memref<512x512xf32, #tpu.memory_space<vmem>>, %arg24: memref<512x64xf32, #tpu.memory_space<vmem>>, %arg25: memref<512x64xf32, #tpu.memory_space<vmem>>, %arg26: memref<512x64xf32, #tpu.memory_space<vmem>>) attributes {dimension_semantics = [#tpu.dimension_semantics<arbitrary>], iteration_bounds = array<i64: 16>, scalar_prefetch = 0 : i64, scratch_operands = 13 : i64, tpu.core_type = #tpu.core_type<tc>, window_params = [{transform_indices = @transform_0, window_bounds = array<i64: 1, 1, 64, 512>}, {transform_indices = @transform_1, window_bounds = array<i64: 512, 512>}, {transform_indices = @transform_2, window_bounds = array<i64: 512, 256>}, {pipeline_mode = #tpu.pipeline_mode<synchronous>, transform_indices = @transform_3, window_bounds = array<i64: 256, 512>}, {pipeline_mode = #tpu.pipeline_mode<synchronous>, transform_indices = @transform_4, window_bounds = array<i64: 1, 256>}, {pipeline_mode = #tpu.pipeline_mode<synchronous>, transform_indices = @transform_5, window_bounds = array<i64: 1, 256>}, {pipeline_mode = #tpu.pipeline_mode<synchronous>, transform_indices = @transform_6, window_bounds = array<i64: 256, 256>}, {pipeline_mode = #tpu.pipeline_mode<synchronous>, transform_indices = @transform_7, window_bounds = array<i64: 1024, 256>}, {pipeline_mode = #tpu.pipeline_mode<synchronous>, transform_indices = @transform_8, window_bounds = array<i64: 1024, 256>}, {pipeline_mode = #tpu.pipeline_mode<synchronous>, transform_indices = @transform_9, window_bounds = array<i64: 19, 256>}, {pipeline_mode = #tpu.pipeline_mode<synchronous>, transform_indices = @transform_10, window_bounds = array<i64: 192, 256>}, {pipeline_mode = #tpu.pipeline_mode<synchronous>, transform_indices = @transform_11, window_bounds = array<i64: 19, 1>}, {pipeline_mode = #tpu.pipeline_mode<synchronous>, transform_indices = @transform_12, window_bounds = array<i64: 1024, 1>}]} {
    %eq3A = arith.constant 0 : i32
    %eq3A_0 = arith.cmpi eq, %arg0, %eq3A : i32
    %convert_element_type3A = arith.extui %eq3A_0 : i1 to i32
    %cond3A = arith.constant 0 : i32
    %cond3A_1 = arith.cmpi ne, %convert_element_type3A, %cond3A : i32
    scf.if %cond3A_1 {
      %broadcast_in_dim3A_198 = arith.constant 0.000000e+00 : f32
      %broadcast_in_dim3A_199 = vector.broadcast %broadcast_in_dim3A_198 : f32 to vector<1x256xf32>
      %swap3A_200 = arith.constant 0 : index
      %swap3A_201 = arith.constant 0 : index
      %swap3A_202 = vector.load %arg17[%swap3A_200, %swap3A_201] : memref<1x256xf32, #tpu.memory_space<vmem>>, vector<1x256xf32>
      tpu.vector_store %arg17[%swap3A_200, %swap3A_201], %broadcast_in_dim3A_199 {strides = array<i32>} : memref<1x256xf32, #tpu.memory_space<vmem>>, vector<1x256xf32>,
      %broadcast_in_dim3A_203 = arith.constant 0.000000e+00 : f32
      %broadcast_in_dim3A_204 = vector.broadcast %broadcast_in_dim3A_203 : f32 to vector<1x256xf32>
      %swap3A_205 = arith.constant 0 : index
      %swap3A_206 = arith.constant 0 : index
      %swap3A_207 = vector.load %arg18[%swap3A_205, %swap3A_206] : memref<1x256xf32, #tpu.memory_space<vmem>>, vector<1x256xf32>
      tpu.vector_store %arg18[%swap3A_205, %swap3A_206], %broadcast_in_dim3A_204 {strides = array<i32>} : memref<1x256xf32, #tpu.memory_space<vmem>>, vector<1x256xf32>,
      %broadcast_in_dim3A_208 = arith.constant 0.000000e+00 : f32
      %broadcast_in_dim3A_209 = vector.broadcast %broadcast_in_dim3A_208 : f32 to vector<19x256xf32>
      %swap3A_210 = arith.constant 0 : index
      %swap3A_211 = arith.constant 0 : index
      %swap3A_212 = vector.load %arg19[%swap3A_210, %swap3A_211] : memref<19x256xf32, #tpu.memory_space<vmem>>, vector<19x256xf32>
      tpu.vector_store %arg19[%swap3A_210, %swap3A_211], %broadcast_in_dim3A_209 {strides = array<i32>} : memref<19x256xf32, #tpu.memory_space<vmem>>, vector<19x256xf32>,
      %broadcast_in_dim3A_213 = arith.constant 0.000000e+00 : f32
      %broadcast_in_dim3A_214 = vector.broadcast %broadcast_in_dim3A_213 : f32 to vector<192x256xf32>
      %swap3A_215 = arith.constant 0 : index
      %swap3A_216 = arith.constant 0 : index
      %swap3A_217 = vector.load %arg20[%swap3A_215, %swap3A_216] : memref<192x256xf32, #tpu.memory_space<vmem>>, vector<192x256xf32>
      tpu.vector_store %arg20[%swap3A_215, %swap3A_216], %broadcast_in_dim3A_214 {strides = array<i32>} : memref<192x256xf32, #tpu.memory_space<vmem>>, vector<192x256xf32>,
      %broadcast_in_dim3A_218 = arith.constant 0.000000e+00 : f32
      %broadcast_in_dim3A_219 = vector.broadcast %broadcast_in_dim3A_218 : f32 to vector<1x19xf32>
      %swap3A_220 = arith.constant 0 : index
      %swap3A_221 = arith.constant 0 : index
      %swap3A_222 = vector.load %arg21[%swap3A_220, %swap3A_221] : memref<1x19xf32, #tpu.memory_space<vmem>>, vector<1x19xf32>
      tpu.vector_store %arg21[%swap3A_220, %swap3A_221], %broadcast_in_dim3A_219 {strides = array<i32>} : memref<1x19xf32, #tpu.memory_space<vmem>>, vector<1x19xf32>,
      %broadcast_in_dim3A_223 = arith.constant 0.000000e+00 : f32
      %broadcast_in_dim3A_224 = vector.broadcast %broadcast_in_dim3A_223 : f32 to vector<19x1xf32>
      %swap3A_225 = arith.constant 0 : index
      %swap3A_226 = arith.constant 0 : index
      %swap3A_227 = vector.load %arg22[%swap3A_225, %swap3A_226] : memref<19x1xf32, #tpu.memory_space<vmem>>, vector<19x1xf32>
      tpu.vector_store %arg22[%swap3A_225, %swap3A_226], %broadcast_in_dim3A_224 {strides = array<i32>} : memref<19x1xf32, #tpu.memory_space<vmem>>, vector<19x1xf32>,
      %iota3A_228 = tpu.iota {dimensions = array<i32: 0>} : vector<512x512xi32>
      %iota3A_229 = tpu.iota {dimensions = array<i32: 1>} : vector<512x512xi32>
      %lt3A_230 = arith.cmpi slt, %iota3A_229, %iota3A_228 : vector<512x512xi32>
      %jit3A_231 = arith.constant 1.000000e+00 : f32
      %jit3A_232 = arith.constant 0.000000e+00 : f32
      %broadcast_in_dim3A_233 = vector.broadcast %jit3A_231 : f32 to vector<512x512xf32>
      %broadcast_in_dim3A_234 = vector.broadcast %jit3A_232 : f32 to vector<512x512xf32>
      %select_n3A_235 = arith.select %lt3A_230, %broadcast_in_dim3A_233, %broadcast_in_dim3A_234 : vector<512x512xi1>, vector<512x512xf32>
      %swap3A_236 = arith.constant 0 : index
      %swap3A_237 = arith.constant 0 : index
      %swap3A_238 = vector.load %arg23[%swap3A_236, %swap3A_237] : memref<512x512xf32, #tpu.memory_space<vmem>>, vector<512x512xf32>
      tpu.vector_store %arg23[%swap3A_236, %swap3A_237], %select_n3A_235 {strides = array<i32>} : memref<512x512xf32, #tpu.memory_space<vmem>>, vector<512x512xf32>,
      %iota3A_239 = tpu.iota {dimensions = array<i32: 0>} : vector<512x64xi32>
      %iota3A_240 = tpu.iota {dimensions = array<i32: 1>} : vector<512x64xi32>
      %jit3A_241 = arith.constant 64 : i32
      %div3A_242 = vector.broadcast %jit3A_241 : i32 to vector<512x64xi32>
      %div3A_243 = arith.divsi %iota3A_239, %div3A_242 : vector<512x64xi32>
      %sign3A_244 = arith.constant 0 : i32
      %sign3A_245 = vector.broadcast %sign3A_244 : i32 to vector<512x64xi32>
      %sign3A_246 = arith.cmpi sgt, %iota3A_239, %sign3A_245 : vector<512x64xi32>
      %sign3A_247 = arith.extui %sign3A_246 : vector<512x64xi1> to vector<512x64xi32>
      %sign3A_248 = arith.constant 0 : i32
      %sign3A_249 = vector.broadcast %sign3A_248 : i32 to vector<512x64xi32>
      %sign3A_250 = arith.cmpi slt, %iota3A_239, %sign3A_249 : vector<512x64xi32>
      %sign3A_251 = arith.extui %sign3A_250 : vector<512x64xi1> to vector<512x64xi32>
      %sign3A_252 = arith.subi %sign3A_247, %sign3A_251 : vector<512x64xi32>
      %sign3A_253 = arith.constant 0 : i32
      %sign3A_254 = arith.cmpi sgt, %jit3A_241, %sign3A_253 : i32
      %sign3A_255 = arith.extui %sign3A_254 : i1 to i32
      %sign3A_256 = arith.constant 0 : i32
      %sign3A_257 = arith.cmpi slt, %jit3A_241, %sign3A_256 : i32
      %sign3A_258 = arith.extui %sign3A_257 : i1 to i32
      %sign3A_259 = arith.subi %sign3A_255, %sign3A_258 : i32
      %ne3A_260 = vector.broadcast %sign3A_259 : i32 to vector<512x64xi32>
      %ne3A_261 = arith.cmpi ne, %sign3A_252, %ne3A_260 : vector<512x64xi32>
      %rem3A_262 = vector.broadcast %jit3A_241 : i32 to vector<512x64xi32>
      %rem3A_263 = arith.remsi %iota3A_239, %rem3A_262 : vector<512x64xi32>
      %ne3A_264 = arith.constant 0 : i32
      %ne3A_265 = vector.broadcast %ne3A_264 : i32 to vector<512x64xi32>
      %ne3A_266 = arith.cmpi ne, %rem3A_263, %ne3A_265 : vector<512x64xi32>
      %and3A_267 = arith.andi %ne3A_261, %ne3A_266 : vector<512x64xi1>
      %sub3A_268 = arith.constant 1 : i32
      %sub3A_269 = vector.broadcast %sub3A_268 : i32 to vector<512x64xi32>
      %sub3A_270 = arith.subi %div3A_243, %sub3A_269 : vector<512x64xi32>
      %select_n3A_271 = arith.select %and3A_267, %sub3A_270, %div3A_243 : vector<512x64xi1>, vector<512x64xi32>
      %mul3A_272 = arith.constant 8 : i32
      %mul3A_273 = vector.broadcast %mul3A_272 : i32 to vector<512x64xi32>
      %mul3A_274 = arith.muli %mul3A_273, %select_n3A_271 : vector<512x64xi32>
      %eq3A_275 = arith.cmpi eq, %iota3A_240, %mul3A_274 : vector<512x64xi32>
      %jit3A_276 = arith.constant 1.000000e+00 : f32
      %jit3A_277 = arith.constant 0.000000e+00 : f32
      %broadcast_in_dim3A_278 = vector.broadcast %jit3A_276 : f32 to vector<512x64xf32>
      %broadcast_in_dim3A_279 = vector.broadcast %jit3A_277 : f32 to vector<512x64xf32>
      %select_n3A_280 = arith.select %eq3A_275, %broadcast_in_dim3A_278, %broadcast_in_dim3A_279 : vector<512x64xi1>, vector<512x64xf32>
      %swap3A_281 = arith.constant 0 : index
      %swap3A_282 = arith.constant 0 : index
      %swap3A_283 = vector.load %arg24[%swap3A_281, %swap3A_282] : memref<512x64xf32, #tpu.memory_space<vmem>>, vector<512x64xf32>
      tpu.vector_store %arg24[%swap3A_281, %swap3A_282], %select_n3A_280 {strides = array<i32>} : memref<512x64xf32, #tpu.memory_space<vmem>>, vector<512x64xf32>,
      %jit3A_284 = arith.constant 64 : i32
      %eq3A_285 = arith.constant 0 : i32
      %eq3A_286 = arith.cmpi eq, %jit3A_284, %eq3A_285 : i32
      %jit3A_287 = arith.constant 1 : i32
      %select_n3A_288 = arith.select %eq3A_286, %jit3A_287, %jit3A_284 : i32
      %rem3A_289 = vector.broadcast %select_n3A_288 : i32 to vector<512x64xi32>
      %rem3A_290 = arith.remsi %iota3A_239, %rem3A_289 : vector<512x64xi32>
      %ne3A_291 = arith.constant 0 : i32
      %ne3A_292 = vector.broadcast %ne3A_291 : i32 to vector<512x64xi32>
      %ne3A_293 = arith.cmpi ne, %rem3A_290, %ne3A_292 : vector<512x64xi32>
      %lt3A_294 = arith.constant 0 : i32
      %lt3A_295 = vector.broadcast %lt3A_294 : i32 to vector<512x64xi32>
      %lt3A_296 = arith.cmpi slt, %rem3A_290, %lt3A_295 : vector<512x64xi32>
      %lt3A_297 = arith.constant 0 : i32
      %lt3A_298 = arith.cmpi slt, %select_n3A_288, %lt3A_297 : i32
      %ne3A_299 = vector.broadcast %lt3A_298 : i1 to vector<512x64xi1>
      %ne3A_300 = vector.broadcast %ne3A_299 : vector<512x64xi1> to vector<512x64xi1>
      %ne3A_301 = arith.xori %lt3A_296, %ne3A_300 : vector<512x64xi1>
      %and3A_302 = arith.andi %ne3A_301, %ne3A_293 : vector<512x64xi1>
      %add3A_303 = vector.broadcast %select_n3A_288 : i32 to vector<512x64xi32>
      %add3A_304 = arith.addi %rem3A_290, %add3A_303 : vector<512x64xi32>
      %select_n3A_305 = arith.select %and3A_302, %add3A_304, %rem3A_290 : vector<512x64xi1>, vector<512x64xi32>
      %eq3A_306 = arith.cmpi eq, %iota3A_240, %select_n3A_305 : vector<512x64xi32>
      %jit3A_307 = arith.constant 1.000000e+00 : f32
      %jit3A_308 = arith.constant 0.000000e+00 : f32
      %broadcast_in_dim3A_309 = vector.broadcast %jit3A_307 : f32 to vector<512x64xf32>
      %broadcast_in_dim3A_310 = vector.broadcast %jit3A_308 : f32 to vector<512x64xf32>
      %select_n3A_311 = arith.select %eq3A_306, %broadcast_in_dim3A_309, %broadcast_in_dim3A_310 : vector<512x64xi1>, vector<512x64xf32>
      %swap3A_312 = arith.constant 0 : index
      %swap3A_313 = arith.constant 0 : index
      %swap3A_314 = vector.load %arg25[%swap3A_312, %swap3A_313] : memref<512x64xf32, #tpu.memory_space<vmem>>, vector<512x64xf32>
      tpu.vector_store %arg25[%swap3A_312, %swap3A_313], %select_n3A_311 {strides = array<i32>} : memref<512x64xf32, #tpu.memory_space<vmem>>, vector<512x64xf32>,
      %mul3A_315 = arith.constant 8 : i32
      %mul3A_316 = vector.broadcast %mul3A_315 : i32 to vector<512x64xi32>
      %mul3A_317 = arith.muli %mul3A_316, %iota3A_240 : vector<512x64xi32>
      %eq3A_318 = arith.cmpi eq, %iota3A_239, %mul3A_317 : vector<512x64xi32>
      %jit3A_319 = arith.constant 1.000000e+00 : f32
      %jit3A_320 = arith.constant 0.000000e+00 : f32
      %broadcast_in_dim3A_321 = vector.broadcast %jit3A_319 : f32 to vector<512x64xf32>
      %broadcast_in_dim3A_322 = vector.broadcast %jit3A_320 : f32 to vector<512x64xf32>
      %select_n3A_323 = arith.select %eq3A_318, %broadcast_in_dim3A_321, %broadcast_in_dim3A_322 : vector<512x64xi1>, vector<512x64xf32>
      %swap3A_324 = arith.constant 0 : index
      %swap3A_325 = arith.constant 0 : index
      %swap3A_326 = vector.load %arg26[%swap3A_324, %swap3A_325] : memref<512x64xf32, #tpu.memory_space<vmem>>, vector<512x64xf32>
      tpu.vector_store %arg26[%swap3A_324, %swap3A_325], %select_n3A_323 {strides = array<i32>} : memref<512x64xf32, #tpu.memory_space<vmem>>, vector<512x64xf32>,
    } else {
    }
    %get3A = arith.constant 0 : index
    %get3A_2 = arith.constant 0 : index
    %get3A_3 = arith.constant 0 : index
    %get3A_4 = arith.constant 0 : index
    %get3A_5 = vector.load %arg1[%get3A, %get3A_2, %get3A_3, %get3A_4] : memref<1x1x64x512xi32, #tpu.memory_space<vmem>>, vector<1x1x64x512xi32>
    %get3A_6 = vector.shape_cast %get3A_5 : vector<1x1x64x512xi32> to vector<64x512xi32>
    %convert_element_type3A_7 = arith.sitofp %get3A_6 : vector<64x512xi32> to vector<64x512xf32>
    %get3A_8 = arith.constant 0 : index
    %get3A_9 = arith.constant 0 : index
    %get3A_10 = vector.load %arg26[%get3A_8, %get3A_9] : memref<512x64xf32, #tpu.memory_space<vmem>>, vector<512x64xf32>
    %dot_general3A = arith.constant dense<0.000000e+00> : vector<64x64xf32>
    %dot_general3A_11 = tpu.matmul %convert_element_type3A_7, %get3A_10, %dot_general3A {dimension_numbers = #tpu.dot_dimension_numbers<[1], [0], [0], [1], [0, 0, 1, 1], [], []>, transpose_lhs_hint = false} : vector<64x512xf32>, vector<512x64xf32>, vector<64x64xf32> -> vector<64x64xf32>
    %get3A_12 = arith.constant 0 : index
    %get3A_13 = arith.constant 0 : index
    %get3A_14 = vector.load %arg24[%get3A_12, %get3A_13] : memref<512x64xf32, #tpu.memory_space<vmem>>, vector<512x64xf32>
    %dot_general3A_15 = arith.constant dense<0.000000e+00> : vector<512x64xf32>
    %dot_general3A_16 = tpu.matmul %get3A_14, %dot_general3A_11, %dot_general3A_15 {dimension_numbers = #tpu.dot_dimension_numbers<[1], [0], [0], [1], [0, 0, 1, 1], [], []>, transpose_lhs_hint = false} : vector<512x64xf32>, vector<64x64xf32>, vector<512x64xf32> -> vector<512x64xf32>
    %get3A_17 = arith.constant 0 : index
    %get3A_18 = arith.constant 0 : index
    %get3A_19 = vector.load %arg25[%get3A_17, %get3A_18] : memref<512x64xf32, #tpu.memory_space<vmem>>, vector<512x64xf32>
    %mul3A = arith.mulf %dot_general3A_16, %get3A_19 : vector<512x64xf32>
    %reduce_sum3A = arith.constant dense<0.000000e+00> : vector<512xf32>
    %reduce_sum3A_20 = vector.multi_reduction <add>, %mul3A, %reduce_sum3A [1] : vector<512x64xf32> to vector<512xf32>
    %broadcast_in_dim3A = vector.shape_cast %reduce_sum3A_20 : vector<512xf32> to vector<512x1xf32>
    %convert_element_type3A_21 = arith.fptosi %broadcast_in_dim3A : vector<512x1xf32> to vector<512x1xi32>
    %get3A_22 = arith.constant 0 : index
    %get3A_23 = arith.constant 0 : index
    %get3A_24 = vector.load %arg3[%get3A_22, %get3A_23] : memref<512x256xf32, #tpu.memory_space<vmem>>, vector<512x256xf32>
    %mul3A_25 = arith.mulf %get3A_24, %get3A_24 : vector<512x256xf32>
    %reduce_sum3A_26 = arith.constant dense<0.000000e+00> : vector<512xf32>
    %reduce_sum3A_27 = vector.multi_reduction <add>, %mul3A_25, %reduce_sum3A_26 [1] : vector<512x256xf32> to vector<512xf32>
    %broadcast_in_dim3A_28 = vector.shape_cast %reduce_sum3A_27 : vector<512xf32> to vector<512x1xf32>
    %sqrt3A = math.sqrt %broadcast_in_dim3A_28 : vector<512x1xf32>
    %add3A = arith.constant 9.99999996E-13 : f32
    %add3A_29 = vector.broadcast %add3A : f32 to vector<512x1xf32>
    %add3A_30 = arith.addf %sqrt3A, %add3A_29 : vector<512x1xf32>
    %div3A = vector.broadcast %add3A_30 : vector<512x1xf32> to vector<512x256xf32>
    %div3A_31 = arith.divf %get3A_24, %div3A : vector<512x256xf32>
    %iota3A = tpu.iota {dimensions = array<i32: 1>} : vector<512x19xi32>
    %eq3A_32 = vector.broadcast %convert_element_type3A_21 : vector<512x1xi32> to vector<512x19xi32>
    %eq3A_33 = arith.cmpi eq, %eq3A_32, %iota3A : vector<512x19xi32>
    %ne3A = arith.constant 255 : i32
    %ne3A_34 = vector.broadcast %ne3A : i32 to vector<512x1xi32>
    %ne3A_35 = arith.cmpi ne, %convert_element_type3A_21, %ne3A_34 : vector<512x1xi32>
    %and3A = vector.broadcast %ne3A_35 : vector<512x1xi1> to vector<512x19xi1>
    %and3A_36 = arith.andi %eq3A_33, %and3A : vector<512x19xi1>
    %jit3A = arith.constant 1.000000e+00 : f32
    %jit3A_37 = arith.constant 0.000000e+00 : f32
    %broadcast_in_dim3A_38 = vector.broadcast %jit3A : f32 to vector<512x19xf32>
    %broadcast_in_dim3A_39 = vector.broadcast %jit3A_37 : f32 to vector<512x19xf32>
    %select_n3A = arith.select %and3A_36, %broadcast_in_dim3A_38, %broadcast_in_dim3A_39 : vector<512x19xi1>, vector<512x19xf32>
    %reduce_sum3A_40 = arith.constant dense<0.000000e+00> : vector<19xf32>
    %reduce_sum3A_41 = vector.multi_reduction <add>, %select_n3A, %reduce_sum3A_40 [0] : vector<512x19xf32> to vector<19xf32>
    %broadcast_in_dim3A_42 = vector.shape_cast %reduce_sum3A_41 : vector<19xf32> to vector<1x19xf32>
    %get3A_43 = arith.constant 0 : index
    %get3A_44 = arith.constant 0 : index
    %get3A_45 = vector.load %arg23[%get3A_43, %get3A_44] : memref<512x512xf32, #tpu.memory_space<vmem>>, vector<512x512xf32>
    %dot_general3A_46 = arith.constant dense<0.000000e+00> : vector<512x19xf32>
    %dot_general3A_47 = tpu.matmul %get3A_45, %select_n3A, %dot_general3A_46 {dimension_numbers = #tpu.dot_dimension_numbers<[1], [0], [0], [1], [0, 0, 1, 1], [], []>, transpose_lhs_hint = false} : vector<512x512xf32>, vector<512x19xf32>, vector<512x19xf32> -> vector<512x19xf32>
    %get3A_48 = arith.constant 0 : index
    %get3A_49 = arith.constant 0 : index
    %get3A_50 = vector.load %arg21[%get3A_48, %get3A_49] : memref<1x19xf32, #tpu.memory_space<vmem>>, vector<1x19xf32>
    %add3A_51 = vector.broadcast %get3A_50 : vector<1x19xf32> to vector<512x19xf32>
    %add3A_52 = arith.addf %dot_general3A_47, %add3A_51 : vector<512x19xf32>
    %get3A_53 = arith.constant 0 : index
    %get3A_54 = arith.constant 0 : index
    %get3A_55 = vector.load %arg21[%get3A_53, %get3A_54] : memref<1x19xf32, #tpu.memory_space<vmem>>, vector<1x19xf32>
    %add3A_56 = arith.addf %get3A_55, %broadcast_in_dim3A_42 : vector<1x19xf32>
    %swap3A = arith.constant 0 : index
    %swap3A_57 = arith.constant 0 : index
    %swap3A_58 = vector.load %arg21[%swap3A, %swap3A_57] : memref<1x19xf32, #tpu.memory_space<vmem>>, vector<1x19xf32>
    tpu.vector_store %arg21[%swap3A, %swap3A_57], %add3A_56 {strides = array<i32>} : memref<1x19xf32, #tpu.memory_space<vmem>>, vector<1x19xf32>,
    %get3A_59 = arith.constant 0 : index
    %get3A_60 = arith.constant 0 : index
    %get3A_61 = vector.load %arg19[%get3A_59, %get3A_60] : memref<19x256xf32, #tpu.memory_space<vmem>>, vector<19x256xf32>
    %dot_general3A_62 = arith.constant dense<0.000000e+00> : vector<19x256xf32>
    %dot_general3A_63 = tpu.matmul %select_n3A, %div3A_31, %dot_general3A_62 {dimension_numbers = #tpu.dot_dimension_numbers<[0], [0], [1], [1], [0, 1, 1, 1], [], []>, transpose_lhs_hint = false} : vector<512x19xf32>, vector<512x256xf32>, vector<19x256xf32> -> vector<19x256xf32>
    %add3A_64 = arith.addf %get3A_61, %dot_general3A_63 : vector<19x256xf32>
    %swap3A_65 = arith.constant 0 : index
    %swap3A_66 = arith.constant 0 : index
    %swap3A_67 = vector.load %arg19[%swap3A_65, %swap3A_66] : memref<19x256xf32, #tpu.memory_space<vmem>>, vector<19x256xf32>
    tpu.vector_store %arg19[%swap3A_65, %swap3A_66], %add3A_64 {strides = array<i32>} : memref<19x256xf32, #tpu.memory_space<vmem>>, vector<19x256xf32>,
    %get3A_68 = arith.constant 0 : index
    %get3A_69 = arith.constant 0 : index
    %get3A_70 = vector.load %arg22[%get3A_68, %get3A_69] : memref<19x1xf32, #tpu.memory_space<vmem>>, vector<19x1xf32>
    %broadcast_in_dim3A_71 = arith.constant 1.000000e+00 : f32
    %broadcast_in_dim3A_72 = vector.broadcast %broadcast_in_dim3A_71 : f32 to vector<512x1xf32>
    %dot_general3A_73 = arith.constant dense<0.000000e+00> : vector<19x1xf32>
    %dot_general3A_74 = tpu.matmul %select_n3A, %broadcast_in_dim3A_72, %dot_general3A_73 {dimension_numbers = #tpu.dot_dimension_numbers<[0], [0], [1], [1], [0, 1, 1, 1], [], []>, transpose_lhs_hint = false} : vector<512x19xf32>, vector<512x1xf32>, vector<19x1xf32> -> vector<19x1xf32>
    %add3A_75 = arith.addf %get3A_70, %dot_general3A_74 : vector<19x1xf32>
    %swap3A_76 = arith.constant 0 : index
    %swap3A_77 = arith.constant 0 : index
    %swap3A_78 = vector.load %arg22[%swap3A_76, %swap3A_77] : memref<19x1xf32, #tpu.memory_space<vmem>>, vector<19x1xf32>
    tpu.vector_store %arg22[%swap3A_76, %swap3A_77], %add3A_75 {strides = array<i32>} : memref<19x1xf32, #tpu.memory_space<vmem>>, vector<19x1xf32>,
    %iota3A_79 = tpu.iota {dimensions = array<i32: 0>} : vector<19x192xi32>
    %iota3A_80 = tpu.iota {dimensions = array<i32: 1>} : vector<19x192xi32>
    %jit3A_81 = arith.constant 10 : i32
    %div3A_82 = vector.broadcast %jit3A_81 : i32 to vector<19x192xi32>
    %div3A_83 = arith.divsi %iota3A_80, %div3A_82 : vector<19x192xi32>
    %sign3A = arith.constant 0 : i32
    %sign3A_84 = vector.broadcast %sign3A : i32 to vector<19x192xi32>
    %sign3A_85 = arith.cmpi sgt, %iota3A_80, %sign3A_84 : vector<19x192xi32>
    %sign3A_86 = arith.extui %sign3A_85 : vector<19x192xi1> to vector<19x192xi32>
    %sign3A_87 = arith.constant 0 : i32
    %sign3A_88 = vector.broadcast %sign3A_87 : i32 to vector<19x192xi32>
    %sign3A_89 = arith.cmpi slt, %iota3A_80, %sign3A_88 : vector<19x192xi32>
    %sign3A_90 = arith.extui %sign3A_89 : vector<19x192xi1> to vector<19x192xi32>
    %sign3A_91 = arith.subi %sign3A_86, %sign3A_90 : vector<19x192xi32>
    %sign3A_92 = arith.constant 0 : i32
    %sign3A_93 = arith.cmpi sgt, %jit3A_81, %sign3A_92 : i32
    %sign3A_94 = arith.extui %sign3A_93 : i1 to i32
    %sign3A_95 = arith.constant 0 : i32
    %sign3A_96 = arith.cmpi slt, %jit3A_81, %sign3A_95 : i32
    %sign3A_97 = arith.extui %sign3A_96 : i1 to i32
    %sign3A_98 = arith.subi %sign3A_94, %sign3A_97 : i32
    %ne3A_99 = vector.broadcast %sign3A_98 : i32 to vector<19x192xi32>
    %ne3A_100 = arith.cmpi ne, %sign3A_91, %ne3A_99 : vector<19x192xi32>
    %rem3A = vector.broadcast %jit3A_81 : i32 to vector<19x192xi32>
    %rem3A_101 = arith.remsi %iota3A_80, %rem3A : vector<19x192xi32>
    %ne3A_102 = arith.constant 0 : i32
    %ne3A_103 = vector.broadcast %ne3A_102 : i32 to vector<19x192xi32>
    %ne3A_104 = arith.cmpi ne, %rem3A_101, %ne3A_103 : vector<19x192xi32>
    %and3A_105 = arith.andi %ne3A_100, %ne3A_104 : vector<19x192xi1>
    %sub3A = arith.constant 1 : i32
    %sub3A_106 = vector.broadcast %sub3A : i32 to vector<19x192xi32>
    %sub3A_107 = arith.subi %div3A_83, %sub3A_106 : vector<19x192xi32>
    %select_n3A_108 = arith.select %and3A_105, %sub3A_107, %div3A_83 : vector<19x192xi1>, vector<19x192xi32>
    %eq3A_109 = arith.cmpi eq, %select_n3A_108, %iota3A_79 : vector<19x192xi32>
    %jit3A_110 = arith.constant 1.000000e+00 : f32
    %jit3A_111 = arith.constant 0.000000e+00 : f32
    %broadcast_in_dim3A_112 = vector.broadcast %jit3A_110 : f32 to vector<19x192xf32>
    %broadcast_in_dim3A_113 = vector.broadcast %jit3A_111 : f32 to vector<19x192xf32>
    %select_n3A_114 = arith.select %eq3A_109, %broadcast_in_dim3A_112, %broadcast_in_dim3A_113 : vector<19x192xi1>, vector<19x192xf32>
    %dot_general3A_115 = arith.constant dense<0.000000e+00> : vector<512x192xf32>
    %dot_general3A_116 = tpu.matmul %select_n3A, %select_n3A_114, %dot_general3A_115 {dimension_numbers = #tpu.dot_dimension_numbers<[1], [0], [0], [1], [0, 0, 1, 1], [], []>, transpose_lhs_hint = false} : vector<512x19xf32>, vector<19x192xf32>, vector<512x192xf32> -> vector<512x192xf32>
    %dot_general3A_117 = arith.constant dense<0.000000e+00> : vector<512x192xf32>
    %dot_general3A_118 = tpu.matmul %add3A_52, %select_n3A_114, %dot_general3A_117 {dimension_numbers = #tpu.dot_dimension_numbers<[1], [0], [0], [1], [0, 0, 1, 1], [], []>, transpose_lhs_hint = false} : vector<512x19xf32>, vector<19x192xf32>, vector<512x192xf32> -> vector<512x192xf32>
    %iota3A_119 = tpu.iota {dimensions = array<i32: 1>} : vector<1x192xi32>
    %jit3A_120 = arith.constant 10 : i32
    %eq3A_121 = arith.constant 0 : i32
    %eq3A_122 = arith.cmpi eq, %jit3A_120, %eq3A_121 : i32
    %jit3A_123 = arith.constant 1 : i32
    %select_n3A_124 = arith.select %eq3A_122, %jit3A_123, %jit3A_120 : i32
    %rem3A_125 = vector.broadcast %select_n3A_124 : i32 to vector<1x192xi32>
    %rem3A_126 = arith.remsi %iota3A_119, %rem3A_125 : vector<1x192xi32>
    %ne3A_127 = arith.constant 0 : i32
    %ne3A_128 = vector.broadcast %ne3A_127 : i32 to vector<1x192xi32>
    %ne3A_129 = arith.cmpi ne, %rem3A_126, %ne3A_128 : vector<1x192xi32>
    %lt3A = arith.constant 0 : i32
    %lt3A_130 = vector.broadcast %lt3A : i32 to vector<1x192xi32>
    %lt3A_131 = arith.cmpi slt, %rem3A_126, %lt3A_130 : vector<1x192xi32>
    %lt3A_132 = arith.constant 0 : i32
    %lt3A_133 = arith.cmpi slt, %select_n3A_124, %lt3A_132 : i32
    %ne3A_134 = vector.broadcast %lt3A_133 : i1 to vector<1x192xi1>
    %ne3A_135 = vector.broadcast %ne3A_134 : vector<1x192xi1> to vector<1x192xi1>
    %ne3A_136 = arith.xori %lt3A_131, %ne3A_135 : vector<1x192xi1>
    %and3A_137 = arith.andi %ne3A_136, %ne3A_129 : vector<1x192xi1>
    %add3A_138 = vector.broadcast %select_n3A_124 : i32 to vector<1x192xi32>
    %add3A_139 = arith.addi %rem3A_126, %add3A_138 : vector<1x192xi32>
    %select_n3A_140 = arith.select %and3A_137, %add3A_139, %rem3A_126 : vector<1x192xi1>, vector<1x192xi32>
    %convert_element_type3A_141 = arith.sitofp %select_n3A_140 : vector<1x192xi32> to vector<1x192xf32>
    %eq3A_142 = vector.broadcast %convert_element_type3A_141 : vector<1x192xf32> to vector<512x192xf32>
    %eq3A_143 = arith.cmpf oeq, %dot_general3A_118, %eq3A_142 : vector<512x192xf32>
    %jit3A_144 = arith.constant 1.000000e+00 : f32
    %jit3A_145 = arith.constant 0.000000e+00 : f32
    %broadcast_in_dim3A_146 = vector.broadcast %jit3A_144 : f32 to vector<512x192xf32>
    %broadcast_in_dim3A_147 = vector.broadcast %jit3A_145 : f32 to vector<512x192xf32>
    %select_n3A_148 = arith.select %eq3A_143, %broadcast_in_dim3A_146, %broadcast_in_dim3A_147 : vector<512x192xi1>, vector<512x192xf32>
    %mul3A_149 = arith.mulf %dot_general3A_116, %select_n3A_148 : vector<512x192xf32>
    %get3A_150 = arith.constant 0 : index
    %get3A_151 = arith.constant 0 : index
    %get3A_152 = vector.load %arg20[%get3A_150, %get3A_151] : memref<192x256xf32, #tpu.memory_space<vmem>>, vector<192x256xf32>
    %dot_general3A_153 = arith.constant dense<0.000000e+00> : vector<192x256xf32>
    %dot_general3A_154 = tpu.matmul %mul3A_149, %div3A_31, %dot_general3A_153 {dimension_numbers = #tpu.dot_dimension_numbers<[0], [0], [1], [1], [0, 1, 1, 1], [], []>, transpose_lhs_hint = false} : vector<512x192xf32>, vector<512x256xf32>, vector<192x256xf32> -> vector<192x256xf32>
    %add3A_155 = arith.addf %get3A_152, %dot_general3A_154 : vector<192x256xf32>
    %swap3A_156 = arith.constant 0 : index
    %swap3A_157 = arith.constant 0 : index
    %swap3A_158 = vector.load %arg20[%swap3A_156, %swap3A_157] : memref<192x256xf32, #tpu.memory_space<vmem>>, vector<192x256xf32>
    tpu.vector_store %arg20[%swap3A_156, %swap3A_157], %add3A_155 {strides = array<i32>} : memref<192x256xf32, #tpu.memory_space<vmem>>, vector<192x256xf32>,
    %get3A_159 = arith.constant 0 : index
    %get3A_160 = arith.constant 0 : index
    %get3A_161 = vector.load %arg2[%get3A_159, %get3A_160] : memref<512x512xf32, #tpu.memory_space<vmem>>, vector<512x512xf32>
    %get3A_162 = arith.constant 0 : index
    %get3A_163 = arith.constant 0 : index
    %get3A_164 = vector.load %arg4[%get3A_162, %get3A_163] : memref<256x512xf32, #tpu.memory_space<vmem>>, vector<256x512xf32>
    %dot_general3A_165 = arith.constant dense<0.000000e+00> : vector<512x256xf32>
    %dot_general3A_166 = tpu.matmul %get3A_161, %get3A_164, %dot_general3A_165 {dimension_numbers = #tpu.dot_dimension_numbers<[1], [1], [0], [0], [0, 0, 1, 0], [], []>, transpose_lhs_hint = false} : vector<512x512xf32>, vector<256x512xf32>, vector<512x256xf32> -> vector<512x256xf32>
    %get3A_167 = arith.constant 0 : index
    %get3A_168 = arith.constant 0 : index
    %get3A_169 = vector.load %arg17[%get3A_167, %get3A_168] : memref<1x256xf32, #tpu.memory_space<vmem>>, vector<1x256xf32>
    %reduce_sum3A_170 = arith.constant dense<0.000000e+00> : vector<256xf32>
    %reduce_sum3A_171 = vector.multi_reduction <add>, %dot_general3A_166, %reduce_sum3A_170 [0] : vector<512x256xf32> to vector<256xf32>
    %broadcast_in_dim3A_172 = vector.shape_cast %reduce_sum3A_171 : vector<256xf32> to vector<1x256xf32>
    %add3A_173 = arith.addf %get3A_169, %broadcast_in_dim3A_172 : vector<1x256xf32>
    %swap3A_174 = arith.constant 0 : index
    %swap3A_175 = arith.constant 0 : index
    %swap3A_176 = vector.load %arg17[%swap3A_174, %swap3A_175] : memref<1x256xf32, #tpu.memory_space<vmem>>, vector<1x256xf32>
    tpu.vector_store %arg17[%swap3A_174, %swap3A_175], %add3A_173 {strides = array<i32>} : memref<1x256xf32, #tpu.memory_space<vmem>>, vector<1x256xf32>,
    %get3A_177 = arith.constant 0 : index
    %get3A_178 = arith.constant 0 : index
    %get3A_179 = vector.load %arg18[%get3A_177, %get3A_178] : memref<1x256xf32, #tpu.memory_space<vmem>>, vector<1x256xf32>
    %mul3A_180 = arith.mulf %dot_general3A_166, %dot_general3A_166 : vector<512x256xf32>
    %reduce_sum3A_181 = arith.constant dense<0.000000e+00> : vector<256xf32>
    %reduce_sum3A_182 = vector.multi_reduction <add>, %mul3A_180, %reduce_sum3A_181 [0] : vector<512x256xf32> to vector<256xf32>
    %broadcast_in_dim3A_183 = vector.shape_cast %reduce_sum3A_182 : vector<256xf32> to vector<1x256xf32>
    %add3A_184 = arith.addf %get3A_179, %broadcast_in_dim3A_183 : vector<1x256xf32>
    %swap3A_185 = arith.constant 0 : index
    %swap3A_186 = arith.constant 0 : index
    %swap3A_187 = vector.load %arg18[%swap3A_185, %swap3A_186] : memref<1x256xf32, #tpu.memory_space<vmem>>, vector<1x256xf32>
    tpu.vector_store %arg18[%swap3A_185, %swap3A_186], %add3A_184 {strides = array<i32>} : memref<1x256xf32, #tpu.memory_space<vmem>>, vector<1x256xf32>,
    %lt3A_188 = arith.constant 2 : i32
    %lt3A_189 = arith.cmpi slt, %arg0, %lt3A_188 : i32
    %convert_element_type3A_190 = arith.extui %lt3A_189 : i1 to i32
    %cond3A_191 = arith.constant 0 : i32
    %cond3A_192 = arith.cmpi ne, %convert_element_type3A_190, %cond3A_191 : i32
    scf.if %cond3A_192 {
      %mul3A_198 = arith.constant 512 : i32
      %mul3A_199 = arith.muli %arg0, %mul3A_198 : i32
      %swap3A_200 = arith.index_cast %mul3A_199 : i32 to index
      %swap3A_201 = arith.constant 0 : index
      %swap3A_202 = vector.load %arg14[%swap3A_200, %swap3A_201] : memref<1024x256xf32, #tpu.memory_space<vmem>>, vector<512x256xf32>
      tpu.vector_store %arg14[%swap3A_200, %swap3A_201], %dot_general3A_166 {strides = array<i32>} : memref<1024x256xf32, #tpu.memory_space<vmem>>, vector<512x256xf32>,
      %mul3A_203 = arith.constant 512 : i32
      %mul3A_204 = arith.muli %arg0, %mul3A_203 : i32
      %swap3A_205 = arith.index_cast %mul3A_204 : i32 to index
      %swap3A_206 = arith.constant 0 : index
      %swap3A_207 = vector.load %arg15[%swap3A_205, %swap3A_206] : memref<1024x256xf32, #tpu.memory_space<vmem>>, vector<512x256xf32>
      tpu.vector_store %arg15[%swap3A_205, %swap3A_206], %div3A_31 {strides = array<i32>} : memref<1024x256xf32, #tpu.memory_space<vmem>>, vector<512x256xf32>,
      %mul3A_208 = arith.constant 512 : i32
      %mul3A_209 = arith.muli %arg0, %mul3A_208 : i32
      %swap3A_210 = arith.index_cast %mul3A_209 : i32 to index
      %swap3A_211 = arith.constant 0 : index
      %swap3A_212 = vector.load %arg16[%swap3A_210, %swap3A_211] : memref<1024x1xf32, #tpu.memory_space<vmem>>, vector<512x1xf32>
      tpu.vector_store %arg16[%swap3A_210, %swap3A_211], %broadcast_in_dim3A {strides = array<i32>} : memref<1024x1xf32, #tpu.memory_space<vmem>>, vector<512x1xf32>,
    } else {
    }
    %eq3A_193 = arith.constant 15 : i32
    %eq3A_194 = arith.cmpi eq, %arg0, %eq3A_193 : i32
    %convert_element_type3A_195 = arith.extui %eq3A_194 : i1 to i32
    %cond3A_196 = arith.constant 0 : i32
    %cond3A_197 = arith.cmpi ne, %convert_element_type3A_195, %cond3A_196 : i32
    scf.if %cond3A_197 {
      %get3A_198 = arith.constant 0 : index
      %get3A_199 = arith.constant 0 : index
      %get3A_200 = vector.load %arg17[%get3A_198, %get3A_199] : memref<1x256xf32, #tpu.memory_space<vmem>>, vector<1x256xf32>
      %div3A_201 = arith.constant 8.192000e+03 : f32
      %div3A_202 = vector.broadcast %div3A_201 : f32 to vector<1x256xf32>
      %div3A_203 = arith.divf %get3A_200, %div3A_202 : vector<1x256xf32>
      %get3A_204 = arith.constant 0 : index
      %get3A_205 = arith.constant 0 : index
      %get3A_206 = vector.load %arg18[%get3A_204, %get3A_205] : memref<1x256xf32, #tpu.memory_space<vmem>>, vector<1x256xf32>
      %div3A_207 = arith.constant 8.192000e+03 : f32
      %div3A_208 = vector.broadcast %div3A_207 : f32 to vector<1x256xf32>
      %div3A_209 = arith.divf %get3A_206, %div3A_208 : vector<1x256xf32>
      %mul3A_210 = arith.mulf %div3A_203, %div3A_203 : vector<1x256xf32>
      %sub3A_211 = arith.subf %div3A_209, %mul3A_210 : vector<1x256xf32>
      %get3A_212 = arith.constant 0 : index
      %get3A_213 = arith.constant 0 : index
      %get3A_214 = vector.load %arg14[%get3A_212, %get3A_213] : memref<1024x256xf32, #tpu.memory_space<vmem>>, vector<1024x256xf32>
      %sub3A_215 = vector.broadcast %div3A_203 : vector<1x256xf32> to vector<1024x256xf32>
      %sub3A_216 = arith.subf %get3A_214, %sub3A_215 : vector<1024x256xf32>
      %add3A_217 = arith.constant 9.99999974E-6 : f32
      %add3A_218 = vector.broadcast %add3A_217 : f32 to vector<1x256xf32>
      %add3A_219 = arith.addf %sub3A_211, %add3A_218 : vector<1x256xf32>
      %sqrt3A_220 = math.sqrt %add3A_219 : vector<1x256xf32>
      %div3A_221 = vector.broadcast %sqrt3A_220 : vector<1x256xf32> to vector<1024x256xf32>
      %div3A_222 = arith.divf %sub3A_216, %div3A_221 : vector<1024x256xf32>
      %get3A_223 = arith.constant 0 : index
      %get3A_224 = arith.constant 0 : index
      %get3A_225 = vector.load %arg5[%get3A_223, %get3A_224] : memref<1x256xf32, #tpu.memory_space<vmem>>, vector<1x256xf32>
      %mul3A_226 = vector.broadcast %get3A_225 : vector<1x256xf32> to vector<1024x256xf32>
      %mul3A_227 = arith.mulf %div3A_222, %mul3A_226 : vector<1024x256xf32>
      %get3A_228 = arith.constant 0 : index
      %get3A_229 = arith.constant 0 : index
      %get3A_230 = vector.load %arg6[%get3A_228, %get3A_229] : memref<1x256xf32, #tpu.memory_space<vmem>>, vector<1x256xf32>
      %add3A_231 = vector.broadcast %get3A_230 : vector<1x256xf32> to vector<1024x256xf32>
      %add3A_232 = arith.addf %mul3A_227, %add3A_231 : vector<1024x256xf32>
      %max3A = arith.constant 0.000000e+00 : f32
      %max3A_233 = vector.broadcast %max3A : f32 to vector<1024x256xf32>
      %max3A_234 = arith.maximumf %add3A_232, %max3A_233 : vector<1024x256xf32>
      %get3A_235 = arith.constant 0 : index
      %get3A_236 = arith.constant 0 : index
      %get3A_237 = vector.load %arg7[%get3A_235, %get3A_236] : memref<256x256xf32, #tpu.memory_space<vmem>>, vector<256x256xf32>
      %dot_general3A_238 = arith.constant dense<0.000000e+00> : vector<1024x256xf32>
      %dot_general3A_239 = tpu.matmul %max3A_234, %get3A_237, %dot_general3A_238 {dimension_numbers = #tpu.dot_dimension_numbers<[1], [1], [0], [0], [0, 0, 1, 0], [], []>, transpose_lhs_hint = false} : vector<1024x256xf32>, vector<256x256xf32>, vector<1024x256xf32> -> vector<1024x256xf32>
      %mul3A_240 = arith.mulf %dot_general3A_239, %dot_general3A_239 : vector<1024x256xf32>
      %reduce_sum3A_241 = arith.constant dense<0.000000e+00> : vector<1024xf32>
      %reduce_sum3A_242 = vector.multi_reduction <add>, %mul3A_240, %reduce_sum3A_241 [1] : vector<1024x256xf32> to vector<1024xf32>
      %broadcast_in_dim3A_243 = vector.shape_cast %reduce_sum3A_242 : vector<1024xf32> to vector<1024x1xf32>
      %sqrt3A_244 = math.sqrt %broadcast_in_dim3A_243 : vector<1024x1xf32>
      %add3A_245 = arith.constant 9.99999996E-13 : f32
      %add3A_246 = vector.broadcast %add3A_245 : f32 to vector<1024x1xf32>
      %add3A_247 = arith.addf %sqrt3A_244, %add3A_246 : vector<1024x1xf32>
      %div3A_248 = vector.broadcast %add3A_247 : vector<1024x1xf32> to vector<1024x256xf32>
      %div3A_249 = arith.divf %dot_general3A_239, %div3A_248 : vector<1024x256xf32>
      %swap3A_250 = arith.constant 0 : index
      %swap3A_251 = arith.constant 0 : index
      %swap3A_252 = vector.load %arg8[%swap3A_250, %swap3A_251] : memref<1024x256xf32, #tpu.memory_space<vmem>>, vector<1024x256xf32>
      tpu.vector_store %arg8[%swap3A_250, %swap3A_251], %div3A_249 {strides = array<i32>} : memref<1024x256xf32, #tpu.memory_space<vmem>>, vector<1024x256xf32>,
      %get3A_253 = arith.constant 0 : index
      %get3A_254 = arith.constant 0 : index
      %get3A_255 = vector.load %arg15[%get3A_253, %get3A_254] : memref<1024x256xf32, #tpu.memory_space<vmem>>, vector<1024x256xf32>
      %swap3A_256 = arith.constant 0 : index
      %swap3A_257 = arith.constant 0 : index
      %swap3A_258 = vector.load %arg9[%swap3A_256, %swap3A_257] : memref<1024x256xf32, #tpu.memory_space<vmem>>, vector<1024x256xf32>
      tpu.vector_store %arg9[%swap3A_256, %swap3A_257], %get3A_255 {strides = array<i32>} : memref<1024x256xf32, #tpu.memory_space<vmem>>, vector<1024x256xf32>,
      %get3A_259 = arith.constant 0 : index
      %get3A_260 = arith.constant 0 : index
      %get3A_261 = vector.load %arg19[%get3A_259, %get3A_260] : memref<19x256xf32, #tpu.memory_space<vmem>>, vector<19x256xf32>
      %get3A_262 = arith.constant 0 : index
      %get3A_263 = arith.constant 0 : index
      %get3A_264 = vector.load %arg22[%get3A_262, %get3A_263] : memref<19x1xf32, #tpu.memory_space<vmem>>, vector<19x1xf32>
      %max3A_265 = arith.constant 1.000000e+00 : f32
      %max3A_266 = vector.broadcast %max3A_265 : f32 to vector<19x1xf32>
      %max3A_267 = arith.maximumf %get3A_264, %max3A_266 : vector<19x1xf32>
      %div3A_268 = vector.broadcast %max3A_267 : vector<19x1xf32> to vector<19x256xf32>
      %div3A_269 = arith.divf %get3A_261, %div3A_268 : vector<19x256xf32>
      %mul3A_270 = arith.mulf %div3A_269, %div3A_269 : vector<19x256xf32>
      %reduce_sum3A_271 = arith.constant dense<0.000000e+00> : vector<19xf32>
      %reduce_sum3A_272 = vector.multi_reduction <add>, %mul3A_270, %reduce_sum3A_271 [1] : vector<19x256xf32> to vector<19xf32>
      %broadcast_in_dim3A_273 = vector.shape_cast %reduce_sum3A_272 : vector<19xf32> to vector<19x1xf32>
      %sqrt3A_274 = math.sqrt %broadcast_in_dim3A_273 : vector<19x1xf32>
      %add3A_275 = arith.constant 9.99999996E-13 : f32
      %add3A_276 = vector.broadcast %add3A_275 : f32 to vector<19x1xf32>
      %add3A_277 = arith.addf %sqrt3A_274, %add3A_276 : vector<19x1xf32>
      %div3A_278 = vector.broadcast %add3A_277 : vector<19x1xf32> to vector<19x256xf32>
      %div3A_279 = arith.divf %div3A_269, %div3A_278 : vector<19x256xf32>
      %swap3A_280 = arith.constant 0 : index
      %swap3A_281 = arith.constant 0 : index
      %swap3A_282 = vector.load %arg10[%swap3A_280, %swap3A_281] : memref<19x256xf32, #tpu.memory_space<vmem>>, vector<19x256xf32>
      tpu.vector_store %arg10[%swap3A_280, %swap3A_281], %div3A_279 {strides = array<i32>} : memref<19x256xf32, #tpu.memory_space<vmem>>, vector<19x256xf32>,
      %get3A_283 = arith.constant 0 : index
      %get3A_284 = arith.constant 0 : index
      %get3A_285 = vector.load %arg20[%get3A_283, %get3A_284] : memref<192x256xf32, #tpu.memory_space<vmem>>, vector<192x256xf32>
      %mul3A_286 = arith.mulf %get3A_285, %get3A_285 : vector<192x256xf32>
      %reduce_sum3A_287 = arith.constant dense<0.000000e+00> : vector<192xf32>
      %reduce_sum3A_288 = vector.multi_reduction <add>, %mul3A_286, %reduce_sum3A_287 [1] : vector<192x256xf32> to vector<192xf32>
      %broadcast_in_dim3A_289 = vector.shape_cast %reduce_sum3A_288 : vector<192xf32> to vector<192x1xf32>
      %sqrt3A_290 = math.sqrt %broadcast_in_dim3A_289 : vector<192x1xf32>
      %add3A_291 = arith.constant 9.99999996E-13 : f32
      %add3A_292 = vector.broadcast %add3A_291 : f32 to vector<192x1xf32>
      %add3A_293 = arith.addf %sqrt3A_290, %add3A_292 : vector<192x1xf32>
      %div3A_294 = vector.broadcast %add3A_293 : vector<192x1xf32> to vector<192x256xf32>
      %div3A_295 = arith.divf %get3A_285, %div3A_294 : vector<192x256xf32>
      %swap3A_296 = arith.constant 0 : index
      %swap3A_297 = arith.constant 0 : index
      %swap3A_298 = vector.load %arg11[%swap3A_296, %swap3A_297] : memref<192x256xf32, #tpu.memory_space<vmem>>, vector<192x256xf32>
      tpu.vector_store %arg11[%swap3A_296, %swap3A_297], %div3A_295 {strides = array<i32>} : memref<192x256xf32, #tpu.memory_space<vmem>>, vector<192x256xf32>,
      %get3A_299 = arith.constant 0 : index
      %get3A_300 = arith.constant 0 : index
      %get3A_301 = vector.load %arg22[%get3A_299, %get3A_300] : memref<19x1xf32, #tpu.memory_space<vmem>>, vector<19x1xf32>
      %swap3A_302 = arith.constant 0 : index
      %swap3A_303 = arith.constant 0 : index
      %swap3A_304 = vector.load %arg12[%swap3A_302, %swap3A_303] : memref<19x1xf32, #tpu.memory_space<vmem>>, vector<19x1xf32>
      tpu.vector_store %arg12[%swap3A_302, %swap3A_303], %get3A_301 {strides = array<i32>} : memref<19x1xf32, #tpu.memory_space<vmem>>, vector<19x1xf32>,
      %get3A_305 = arith.constant 0 : index
      %get3A_306 = arith.constant 0 : index
      %get3A_307 = vector.load %arg16[%get3A_305, %get3A_306] : memref<1024x1xf32, #tpu.memory_space<vmem>>, vector<1024x1xf32>
      %swap3A_308 = arith.constant 0 : index
      %swap3A_309 = arith.constant 0 : index
      %swap3A_310 = vector.load %arg13[%swap3A_308, %swap3A_309] : memref<1024x1xf32, #tpu.memory_space<vmem>>, vector<1024x1xf32>
      tpu.vector_store %arg13[%swap3A_308, %swap3A_309], %get3A_307 {strides = array<i32>} : memref<1024x1xf32, #tpu.memory_space<vmem>>, vector<1024x1xf32>,
    } else {
    }
    return
  }
  func.func @transform_0(%arg0: i32) -> (i32, i32, i32, i32) {
    %jit3A = arith.constant 8 : i32
    %div3A = arith.divsi %arg0, %jit3A : i32
    %sign3A = arith.constant 0 : i32
    %sign3A_0 = arith.cmpi sgt, %arg0, %sign3A : i32
    %sign3A_1 = arith.extui %sign3A_0 : i1 to i32
    %sign3A_2 = arith.constant 0 : i32
    %sign3A_3 = arith.cmpi slt, %arg0, %sign3A_2 : i32
    %sign3A_4 = arith.extui %sign3A_3 : i1 to i32
    %sign3A_5 = arith.subi %sign3A_1, %sign3A_4 : i32
    %sign3A_6 = arith.constant 0 : i32
    %sign3A_7 = arith.cmpi sgt, %jit3A, %sign3A_6 : i32
    %sign3A_8 = arith.extui %sign3A_7 : i1 to i32
    %sign3A_9 = arith.constant 0 : i32
    %sign3A_10 = arith.cmpi slt, %jit3A, %sign3A_9 : i32
    %sign3A_11 = arith.extui %sign3A_10 : i1 to i32
    %sign3A_12 = arith.subi %sign3A_8, %sign3A_11 : i32
    %ne3A = arith.cmpi ne, %sign3A_5, %sign3A_12 : i32
    %rem3A = arith.remsi %arg0, %jit3A : i32
    %ne3A_13 = arith.constant 0 : i32
    %ne3A_14 = arith.cmpi ne, %rem3A, %ne3A_13 : i32
    %and3A = arith.andi %ne3A, %ne3A_14 : i1
    %sub3A = arith.constant 1 : i32
    %sub3A_15 = arith.subi %div3A, %sub3A : i32
    %select_n3A = arith.select %and3A, %sub3A_15, %div3A : i32
    %jit3A_16 = arith.constant 8 : i32
    %eq3A = arith.constant 0 : i32
    %eq3A_17 = arith.cmpi eq, %jit3A_16, %eq3A : i32
    %jit3A_18 = arith.constant 1 : i32
    %select_n3A_19 = arith.select %eq3A_17, %jit3A_18, %jit3A_16 : i32
    %rem3A_20 = arith.remsi %arg0, %select_n3A_19 : i32
    %ne3A_21 = arith.constant 0 : i32
    %ne3A_22 = arith.cmpi ne, %rem3A_20, %ne3A_21 : i32
    %lt3A = arith.constant 0 : i32
    %lt3A_23 = arith.cmpi slt, %rem3A_20, %lt3A : i32
    %lt3A_24 = arith.constant 0 : i32
    %lt3A_25 = arith.cmpi slt, %select_n3A_19, %lt3A_24 : i32
    %ne3A_26 = arith.xori %lt3A_23, %lt3A_25 : i1
    %and3A_27 = arith.andi %ne3A_26, %ne3A_22 : i1
    %add3A = arith.addi %rem3A_20, %select_n3A_19 : i32
    %select_n3A_28 = arith.select %and3A_27, %add3A, %rem3A_20 : i32
    %c0_i32 = arith.constant 0 : i32
    %c0_i32_29 = arith.constant 0 : i32
    %c0_i32_30 = arith.constant 0 : i32
    return %select_n3A, %c0_i32, %select_n3A_28, %c0_i32_29 : i32, i32, i32, i32
  }
  func.func @transform_1(%arg0: i32) -> (i32, i32) {
    %c0_i32 = arith.constant 0 : i32
    %c0_i32_0 = arith.constant 0 : i32
    return %arg0, %c0_i32 : i32, i32
  }
  func.func @transform_2(%arg0: i32) -> (i32, i32) {
    %c0_i32 = arith.constant 0 : i32
    %c0_i32_0 = arith.constant 0 : i32
    return %arg0, %c0_i32 : i32, i32
  }
  func.func @transform_3(%arg0: i32) -> (i32, i32) {
    %c0_i32 = arith.constant 0 : i32
    %c0_i32_0 = arith.constant 0 : i32
    %c0_i32_1 = arith.constant 0 : i32
    return %c0_i32, %c0_i32_0 : i32, i32
  }
  func.func @transform_4(%arg0: i32) -> (i32, i32) {
    %c0_i32 = arith.constant 0 : i32
    %c0_i32_0 = arith.constant 0 : i32
    %c0_i32_1 = arith.constant 0 : i32
    return %c0_i32, %c0_i32_0 : i32, i32
  }
  func.func @transform_5(%arg0: i32) -> (i32, i32) {
    %c0_i32 = arith.constant 0 : i32
    %c0_i32_0 = arith.constant 0 : i32
    %c0_i32_1 = arith.constant 0 : i32
    return %c0_i32, %c0_i32_0 : i32, i32
  }
  func.func @transform_6(%arg0: i32) -> (i32, i32) {
    %c0_i32 = arith.constant 0 : i32
    %c0_i32_0 = arith.constant 0 : i32
    %c0_i32_1 = arith.constant 0 : i32
    return %c0_i32, %c0_i32_0 : i32, i32
  }
  func.func @transform_7(%arg0: i32) -> (i32, i32) {
    %c0_i32 = arith.constant 0 : i32
    %c0_i32_0 = arith.constant 0 : i32
    %c0_i32_1 = arith.constant 0 : i32
    return %c0_i32, %c0_i32_0 : i32, i32
  }
  func.func @transform_8(%arg0: i32) -> (i32, i32) {
    %c0_i32 = arith.constant 0 : i32
    %c0_i32_0 = arith.constant 0 : i32
    %c0_i32_1 = arith.constant 0 : i32
    return %c0_i32, %c0_i32_0 : i32, i32
  }
  func.func @transform_9(%arg0: i32) -> (i32, i32) {
    %c0_i32 = arith.constant 0 : i32
    %c0_i32_0 = arith.constant 0 : i32
    %c0_i32_1 = arith.constant 0 : i32
    return %c0_i32, %c0_i32_0 : i32, i32
  }
  func.func @transform_10(%arg0: i32) -> (i32, i32) {
    %c0_i32 = arith.constant 0 : i32
    %c0_i32_0 = arith.constant 0 : i32
    %c0_i32_1 = arith.constant 0 : i32
    return %c0_i32, %c0_i32_0 : i32, i32
  }
  func.func @transform_11(%arg0: i32) -> (i32, i32) {
    %c0_i32 = arith.constant 0 : i32
    %c0_i32_0 = arith.constant 0 : i32
    %c0_i32_1 = arith.constant 0 : i32
    return %c0_i32, %c0_i32_0 : i32, i32
  }
  func.func @transform_12(%arg0: i32) -> (i32, i32) {
    %c0_i32 = arith.constant 0 : i32
    %c0_i32_0 = arith.constant 0 : i32
    %c0_i32_1 = arith.constant 0 : i32
    return %c0_i32, %c0_i32_0 : i32, i32
  }
}

</mosaic_0001>

<sc_bundles>
// kernel: kernel.5.cloned.1.call-start
scs
__scs_entry_jumppad:
0x0: {  	(pc) =	sbr.rel $0x88, $3  }
0x1: {  	(tag) =	ssettag $0x0;
	lr =	simm.s32 $0x1  }
0x2: {  	[smem:$0x3F96] =	sst lr;
	_ =	strace $0xD0000000  }
0x3: {  	_ = 	snop  }
0x4: {  	_ = 	snop  }
0x5: {  	_ = 	snop  }
0x6: {  	_ = 	snop  }
0x7: {  	_ = 	snop  }
__scs_overlays_trampoline_lowered:
0x8: {  	[smem:$0x3FA5] =	sst s0  }
0x9: {  	[smem:$0x3FA6] =	sst s1  }
0xa: {  	[smem:$0x3FA7] =	sst s2  }
0xb: {  	[smem:$0x3FA8] =	sst s3  }
0xc: {  	[smem:$0x3FA9] =	sst s4  }
0xd: {  	[smem:$0x3FAA] =	sst s5  }
0xe: {  	[smem:$0x3FAB] =	sst s6  }
0xf: {  	[smem:$0x3FAC] =	sst s7  }
0x10: {  	[smem:$0x3FAD] =	sst s8  }
0x11: {  	[smem:$0x3FAE] =	sst s9;
	s0 =	simm.s32 @!p0 $0x0  }
0x12: {  	s1 =	sld [smem:$0x3F94];
	s0 =	simm.s32 @p0 $0x1  }
0x13: {  	[smem:$0x3FAF] =	sst s0;
	s0 =	simm.s32 @!p1 $0x0  }
0x14: {  	s2 =	sld [smem:$0x3F93];
	s0 =	simm.s32 @p1 $0x1  }
0x15: {  	[smem:$0x3FB0] =	sst s0;
	s0 =	simm.s32 @!p2 $0x0  }
0x16: {  	s3 =	sld [smem:$0x3FDB];
	s0 =	simm.s32 @p2 $0x1  }
0x17: {  	s4 =	simm.s32 $0x1BF5;
	[smem:$0x3FB2] =	sst s0  }
0x18: {  	s0 =	sld [smem:$0x3F95];
	_ =	swait.ge [sflag:s4], $0x0  }
0x19: {  	s7 =	sld [smem:$0x3F96]  }
0x1a: {  	s8 =	sadd.s32 $0xFFFFE003, lr  }
0x1b: {  	s9 =	sadd.s32 $0xFFFFFEF7, lr;
	s5 =	simm.s32 $0xFFFFFFFF;
	p2 =	slt.u32 s8, $0xFFFFF086  }
0x1c: {  	p1 =	slt.u32 s9, $0xF7A;
	s5 =	simm.s32 @!p2 $0x0  }
0x1d: {  	s5 =	simm.s32 @p1 $0x1;
	p0 =	seq.s32 s7, s2  }
0x1e: {  	s7 =	smul.u32 @!p0 $0xF7A, s2;
	p2 =	seq.s32 @!p0 s5, $0x0  }
0x1f: {  	s9 =	smul.u32 $0xF7A, s1;
	s8 =	simm.s32 @!p0 $0x1BF5;
	p2 =	por !p2, p0  }
0x20: {  	[sflag:s8] =	ssyncset.s32 @!p0 $0xFFFFF086;
	s6 =	sadd.s32 @!p0 s3, s7;
	s7 =	simm.s32 @!p0 $0x108  }
0x21: {  	s3 =	sadd.s32 s3, s9;
	s6 =	sadd.s32 @!p0 $0x88, s6;
	s7 =	simm.s32 @p2 $0x1082  }
0x22: {  	[simem:s7], [sflag:s8] =	dma.local @!p0 [hbm:s6], $0xF7A  }
0x23: {  	s9 =	sor.u32 $0xD0000000, s2;
	s6 =	simm.s32 $0x108;
	_ =	swait.ge @!p0 [sflag:s8], $0x0  }
0x24: {  	s3 =	sadd.s32 $0x88, s3;
	s6 =	simm.s32 @!p1 $0x1082;
	[sflag:s4] =	ssyncset.s32 $0xFFFFF086  }
0x25: {  	[simem:s6], [sflag:s4] =	dma.local [hbm:s3], $0xF7A  }
0x26: {  	[smem:$0x3F96] =	sst s1;
	(tag) =	ssettag s2;
	_ =	strace s9  }
0x27: {  	s1 =	sld [smem:$0x3FA6]  }
0x28: {  	s2 =	sld [smem:$0x3FA7]  }
0x29: {  	s4 =	sld [smem:$0x3FA9]  }
0x2a: {  	p0 =	seq.s32 s5, $0x0;
	s5 =	sld [smem:$0x3FAA]  }
0x2b: {  	s6 =	sld [smem:$0x3FAB]  }
0x2c: {  	s7 =	sld [smem:$0x3FAC]  }
0x2d: {  	s3 =	simm.s32 $0x108;
	s8 =	sld [smem:$0x3FAD]  }
0x2e: {  	s3 =	simm.s32 @!p0 $0x1082;
	s9 =	sld [smem:$0x3FAE]  }
0x2f: {  	lr =	sadd.s32 s0, s3;
	s0 =	sld [smem:$0x3FA5]  }
0x30: {  	s3 =	sld [smem:$0x3FA8]  }
0x31: {  	[smem:$0x3FB1] =	sst s10  }
0x32: {  	s10 =	sld [smem:$0x3FAF];
	_ =	sdelay $0x3  }
0x33: {  	p0 =	seq.s32 s10, $0x1;
	s10 =	sld [smem:$0x3FB1];
	_ =	sdelay $0x3  }
0x34: {  	[smem:$0x3FB1] =	sst s10  }
0x35: {  	s10 =	sld [smem:$0x3FB0];
	_ =	sdelay $0x3  }
0x36: {  	p1 =	seq.s32 s10, $0x1;
	s10 =	sld [smem:$0x3FB1];
	_ =	sdelay $0x3  }
0x37: {  	[smem:$0x3FB1] =	sst s10  }
0x38: {  	s10 =	sld [smem:$0x3FB2]  }
0x39: {  	_ = 	snop;
	(pc) =	sbr.ind lr, $3  }
0x3a: {  	_ = 	snop  }
0x3b: {  	_ = 	snop  }
0x3c: {  	p2 =	seq.s32 s10, $0x1;
	s10 =	sld [smem:$0x3FB1]  }
0x3d: {  	_ =	shalt  }
0x3e: {  	_ =	shalt  }
0x3f: {  	_ =	shalt  }
0x40: {  	_ =	shalt  }
0x41: {  	_ =	shalt  }
0x42: {  	_ =	shalt  }
0x43: {  	_ =	shalt  }
0x44: {  	_ =	shalt  }
0x45: {  	_ =	shalt  }
0x46: {  	_ =	shalt  }
0x47: {  	_ =	shalt  }
0x48: {  	_ =	shalt  }
0x49: {  	_ =	shalt  }
0x4a: {  	_ =	shalt  }
0x4b: {  	_ =	shalt  }
0x4c: {  	_ =	shalt  }
0x4d: {  	_ =	shalt  }
0x4e: {  	_ =	shalt  }
0x4f: {  	_ =	shalt  }
0x50: {  	_ =	shalt  }
0x51: {  	_ =	shalt  }
0x52: {  	_ =	shalt  }
0x53: {  	_ =	shalt  }
0x54: {  	_ =	shalt  }
0x55: {  	_ =	shalt  }
0x56: {  	_ =	shalt  }
0x57: {  	_ =	shalt  }
0x58: {  	_ =	shalt  }
0x59: {  	_ =	shalt  }
0x5a: {  	_ =	shalt  }
0x5b: {  	_ =	shalt  }
0x5c: {  	_ =	shalt  }
0x5d: {  	_ =	shalt  }
0x5e: {  	_ =	shalt  }
0x5f: {  	_ =	shalt  }
0x60: {  	_ =	shalt  }
0x61: {  	_ =	shalt  }
0x62: {  	_ =	shalt  }
0x63: {  	_ =	shalt  }
0x64: {  	_ =	shalt  }
0x65: {  	_ =	shalt  }
0x66: {  	_ =	shalt  }
0x67: {  	_ =	shalt  }
0x68: {  	_ =	shalt  }
0x69: {  	_ =	shalt  }
0x6a: {  	_ =	shalt  }
0x6b: {  	_ =	shalt  }
0x6c: {  	_ =	shalt  }
0x6d: {  	_ =	shalt  }
0x6e: {  	_ =	shalt  }
0x6f: {  	_ =	shalt  }
0x70: {  	_ =	shalt  }
0x71: {  	_ =	shalt  }
0x72: {  	_ =	shalt  }
0x73: {  	_ =	shalt  }
0x74: {  	_ =	shalt  }
0x75: {  	_ =	shalt  }
0x76: {  	_ =	shalt  }
0x77: {  	_ =	shalt  }
0x78: {  	_ =	shalt  }
0x79: {  	_ =	shalt  }
0x7a: {  	_ =	shalt  }
0x7b: {  	_ =	shalt  }
0x7c: {  	_ =	shalt  }
0x7d: {  	_ =	shalt  }
0x7e: {  	_ =	shalt  }
0x7f: {  	_ =	shalt  }
0x80: {  	_ =	shalt  }
0x81: {  	_ =	shalt  }
0x82: {  	_ =	shalt  }
0x83: {  	_ =	shalt  }
0x84: {  	_ =	shalt  }
0x85: {  	_ =	shalt  }
0x86: {  	_ =	shalt  }
0x87: {  	_ =	shalt  }
.Lfunc_end0:
.L_simem_size_0:
called_computation_lowered:
.L_overlay_start_0:
0x88: {  	s2 =	sld [smem:$0x3FD9]  }
0x89: {  	s3 =	sld [smem:$0x3FFE];
	_ =	sdelay $0x1  }
0x8a: {  	s1 =	srdreg.scid  }
0x8b: {  	s0 =	sand.u32 $0x1, s1  }
0x8c: {  	s17 =	sshll.u32 s0, $0xA;
	s2 =	sadd.s32 s3, s2  }
0x8d: {  	s2 =	sadd.s32 s2, s17  }
0x8e: {  	[smem:$0x3FBD] =	sst s2  }
0x8f: {  	_ = 	snop  }
0x90: {  	s2 =	sld [smem:$0x3FC2]  }
0x91: {  	s18 =	sld [smem:$0x3FC1];
	(tm) =	ssettm $0x1  }
0x92: {  	s4 =	sld [smem:$0x3FFB];
	_ =	sdelay $0x3  }
0x93: {  	_ =	strace s4  }
0x94: {  	s4 =	sld [smem:$0x3FFC];
	_ =	sdelay $0x3  }
0x95: {  	_ =	strace s4  }
0x96: {  	s4 =	sld [smem:$0x3FFD];
	_ =	sdelay $0x3  }
0x97: {  	_ =	strace s4  }
0x98: {  	_ =	strace $0x8FFFFFFF  }
0x99: {  	s19 =	sld [smem:$0x3FDB];
	_ =	sdelay $0x1  }
0x9a: {  	s5 =	simm.s32 $_scs_section_size  }
0x9b: {  	s6 =	simm.s32 $_size__tile_overlayer_lowered;
	s7 =	simm.s32 $_tile_overlayer_lowered  }
0x9c: {  	s22 =	simm.s32 $0x1BFF;
	s21 =	sshll.u32 s7, $0x1;
	s4 =	sadd.s32 s5, s19  }
0x9d: {  	s8 =	simm.s32 $0x0;
	s20 =	sshll.u32 s6, $0x1;
	s6 =	sadd.s32 s21, s4  }
0x9e: {  	[timem:s8], [sflag:s22] =	dma.local [hbm:s6], s20  }
0x9f: {  	_ =	swait.ge [sflag:s22], s20  }
0xa0: {  	s5 =	ssub.s32 $0x0, s20;
	[sflag:s22] =	ssyncset.done $0x0  }
0xa1: {  	[sflag:s22] =	ssyncadd.s32 s5;
	_ =	sdelay $0x1  }
0xa2: {  	s23 =	simm.s32 $0x1B8B  }
0xa3: {  	_ =	swait.ge [sflag:s23], $0x1  }
0xa4: {  	[sflag:s23] =	ssyncset.done $0x0  }
0xa5: {  	s25 =	simm.s32 $0x1B8E;
	s24 =	sld [smem:$0x3FFE];
	[sflag:s23] =	ssyncadd.s32 $0xFFFFFFFF  }
0xa6: {  	s26 =	simm.s32 $execute0_lowered;
	[smem:$0x3FD2] =	sst s25  }
0xa7: {  	s6 =	sshll.u32 s26, $0x1;
	_ =	strace $0x80000046;
	[dreg:$0x1] =	wrdreg $0xFFFFFFFF  }
0xa8: {  	s28 =	simm.s32 $_size_execute0_lowered;
	s4 =	sadd.s32 s4, s6;
	[dreg:$0x0] =	wrdreg $0x0  }
0xa9: {  	s6 =	sshll.u32 s28, $0x1;
	[dreg:$0x2] =	wrdreg s4  }
0xaa: {  	[dreg:$0x3] =	wrdreg s6  }
0xab: {  	[dreg:$0x4] =	wrdreg $0xC0  }
0xac: {  	_ =	task [dreg:s8], $0x5FFFF  }
0xad: {  	[dreg:$0x1] =	wrdreg $0xFFFFFFFF  }
0xae: {  	[dreg:$0x0] =	wrdreg $0x60  }
0xaf: {  	[dreg:$0x2] =	wrdreg s18  }
0xb0: {  	[dreg:$0x3] =	wrdreg s24  }
0xb1: {  	[dreg:$0x4] =	wrdreg s2  }
0xb2: {  	[dreg:$0x5] =	wrdreg $0x9  }
0xb3: {  	_ =	task.clear_ibuf [dreg:s8], $0x6FFFF;
	_ =	strace $0x90000046  }
0xb4: {  	s29 =	simm.s32 $0x9;
	_ =	strace $0x80000048  }
0xb5: {  	_ =	swait.ge [sflag:s29], $0x1  }
0xb6: {  	[sflag:s29] =	ssyncadd.s32 $0xFFFFFFFF  }
0xb7: {  	_ =	strace $0x90000048  }
0xb8: {  	_ =	sfence  }
0xb9: {  	s30 =	sld [smem:$0x0];
	_ =	sdelay $0x2  }
0xba: {  	s31 =	sshll.u32 s1, $0xD;
	s1 =	sshrl.u32 s1, $0x2  }
0xbb: {  	s3 =	sand.u32 $0x4000, s31;
	s1 =	sadd.s32 s1, s30  }
0xbc: {  	s0 =	sor.u32 s3, s0;
	s1 =	sshll.u32 s1, $0x11  }
0xbd: {  	s0 =	sor.u32 s1, s0  }
0xbe: {  	s0 =	sadd.s32 $0x8F2B, s0  }
0xbf: {  	[sflag:s0] =	ssyncadd.remote.s32 $0x1  }
0xc0: {  	_ =	sfence.sel $0xFFFF  }
0xc1: {  	[dreg:$0x0] =	wrdreg $0xFFFFFFFF;
	(pc) =	sbr.abs _section_cstart, $3  }
0xc2: {  	[dreg:$0x1] =	wrdreg $0xFFFFFFFF  }
0xc3: {  	_ =	task.clear_ibuf [dreg:s8], $0x2FFFF;
	_ =	strace $0x9FFFFFFF  }
0xc4: {  	(tm) =	ssettm $0x7FFFFFFF  }
0xc5: {  	_ =	shalt  }
tec
execute0_lowered:
.L_overlay_start_1:
0x0: {  	(tag) =	ssettag $0x1  }
0x1: {  	s2 =	srdreg.scid  }
0x2: {  	s0 =	stileid.u32;
	s1 =	rddreg [dreg:$0x0]  }
0x3: {  	s5 =	rddreg [dreg:$0x1];
	s4 =	simm.s32 $0x0;
	s10 =	simm.s32 $0x1900  }
0x4: {  	s11 =	simm.s32 $0x2100;
	s12 =	simm.s32 $0x2900;
	s13 =	simm.s32 $0x3100  }
0x5: {  	s14 =	simm.s32 $0x3900;
	s15 =	simm.s32 $0x4100;
	s16 =	simm.s32 $0x4900  }
0x6: {  	s17 =	simm.s32 $0x5100;
	s18 =	simm.s32 $0x5900;
	s19 =	simm.s32 $0x6100  }
0x7: {  	s20 =	simm.s32 $0x6900;
	s21 =	simm.s32 $0x7100;
	s22 =	simm.s32 $0x7900  }
0x8: {  	s23 =	simm.s32 $0x8100;
	s2 =	sand.u32 $0x1, s2;
	s3 =	sshll.u32 s0, $0x1  }
0x9: {  	s28 =	simm.s32 $0x9980;
	s29 =	simm.s32 $0xA180;
	s6 =	sor.u32 s2, s3  }
0xa: {  	s30 =	simm.s32 $0xA980;
	s31 =	simm.s32 $0x1;
	s7 =	smul.u32 $0x11, s6  }
0xb: {  	[smem:$0x7FF] =	sst s4;
	s2 =	ssub.s32 $0x2, s2;
	s8 =	smul.u32 $0x5, s6  }
0xc: {  	s3 =	rddreg [dreg:$0x2];
	s9 =	smul.u32 $0x1100, s6;
	s26 =	sshrl.u32 s2, $0x1  }
0xd: {  	_ =	strace $0x80000047;
	s6 =	smul.u32 $0x500, s6;
	s2 =	ssub.s32 s2, s26  }
0xe: {  	s26 =	simm.s32 $0x9180;
	s7 =	sadd.s32 s7, s5;
	s8 =	sadd.s32 s8, s5  }
0xf: {  	s9 =	sadd.s32 s9, s5;
	s5 =	sadd.s32 s6, s5;
	s7 =	sadd.s32 $0x2400, s7  }
0x10: {  	s6 =	simm.s32 $0x3;
	s24 =	sadd.s32 $0x2800, s8;
	[dreg:$0x4] =	wrdreg s7  }
0x11: {  	s25 =	sadd.s32 $0x2A00, s9;
	s5 =	sadd.s32 $0x24A00, s5;
	[dreg:$0x5] =	wrdreg s24  }
0x12: {  	v2 =	vlaneseq.u32;
	s8 =	simm.s32 $0x900;
	s9 =	simm.s32 $0x1100;
	[dreg:$0x6] =	wrdreg s25  }
0x13: {  	vm0 =	vmmov $0xffff;
	v1 =	vshrl.u32 v2, $0x3;
	[dreg:$0x7] =	wrdreg s5;
	s5 =	smax.u32 s2, $0x1;
	s7 =	simm.s32 $0x100  }
0x14: {  	v0 =	vand.u32 $0x7, v2;
	v2 =	vor.u32 $0x8, v2;
	v1 =	vmul.u32 $0x8, v1;
	s24 =	simm.s32 $0x8900;
	s25 =	simm.s32 $0x8980;
	s2 =	simm.s32 $0x2  }
.LBB2_1:
0x15: {  	s0 =	rddreg [dreg:$0x4]  }
0x16: {  	[tilespmem:s4], [sflag:$0x3] =	stream.linear.gather [hbm4b:s0+s4], $0x88, $0x38;
	[tilespmem:$0xB180] =	vst v63  }
0x17: {  	_ =	swait.ge [sflag:s6], $0x88  }
0x18: {  	[sflag:s6] =	ssyncset.done $0x0  }
0x19: {  	[sflag:s6] =	ssyncadd.s32 $0xFFFFFF78  }
0x1a: {  	v3 =	vld [tilespmem:$0x0];
	_ =	sdelay $0x4  }
0x1b: {  	v4 =	vshll.u32 v3, $0x1  }
0x1c: {  	v3 =	vand.u32 $0x7, v3;
	v4 =	vand.u32 $0xFFFFFFF0, v4  }
0x1d: {  	v3 =	vor.u32 v3, v4  }
0x1e: {  	v4 =	vperm.xlane v3, v0;
	_ =	sdelay $0x1  }
0x1f: {  	v3 =	vperm.xlane v3, v2;
	v4 =	vadd.s32 v1, v4;
	_ =	sdelay $0x1  }
0x20: {  	v3 =	vadd.s32 v1, v3;
	_ =	sdelay $0x2  }
0x21: {  	[tilespmem:s7], [sflag:$0x1] =	stream.indirect_vreg.gather [hbm4b:s1+s4], $0x80, v4, vm0, $0xb8;
	[tilespmem:$0xB180] =	vst v63  }
0x22: {  	_ = 	snop  }
0x23: {  	[tilespmem:s8], [sflag:$0x1] =	stream.indirect_vreg.gather [hbm4b:s1+s4], $0x80, v3, vm0, $0xb8;
	[tilespmem:$0xB180] =	vst v63  }
0x24: {  	v3 =	vld [tilespmem:$0x10];
	_ =	sdelay $0x4  }
0x25: {  	v53 =	vshll.u32 v3, $0x1  }
0x26: {  	v3 =	vand.u32 $0x7, v3;
	v4 =	vand.u32 $0xFFFFFFF0, v53  }
0x27: {  	v3 =	vor.u32 v3, v4  }
0x28: {  	v4 =	vperm.xlane v3, v0;
	_ =	sdelay $0x1  }
0x29: {  	v3 =	vperm.xlane v3, v2;
	v4 =	vadd.s32 v1, v4;
	_ =	sdelay $0x1  }
0x2a: {  	v3 =	vadd.s32 v1, v3;
	_ =	sdelay $0x2  }
0x2b: {  	[tilespmem:s9], [sflag:$0x1] =	stream.indirect_vreg.gather [hbm4b:s1+s4], $0x80, v4, vm0, $0xb8;
	[tilespmem:$0xB180] =	vst v63  }
0x2c: {  	_ = 	snop  }
0x2d: {  	[tilespmem:s10], [sflag:$0x1] =	stream.indirect_vreg.gather [hbm4b:s1+s4], $0x80, v3, vm0, $0xb8;
	[tilespmem:$0xB180] =	vst v63  }
0x2e: {  	v3 =	vld [tilespmem:$0x20];
	_ =	sdelay $0x4  }
0x2f: {  	v54 =	vshll.u32 v3, $0x1  }
0x30: {  	v3 =	vand.u32 $0x7, v3;
	v4 =	vand.u32 $0xFFFFFFF0, v54  }
0x31: {  	v3 =	vor.u32 v3, v4  }
0x32: {  	v4 =	vperm.xlane v3, v0;
	_ =	sdelay $0x1  }
0x33: {  	v3 =	vperm.xlane v3, v2;
	v4 =	vadd.s32 v1, v4;
	_ =	sdelay $0x1  }
0x34: {  	v3 =	vadd.s32 v1, v3;
	_ =	sdelay $0x2  }
0x35: {  	[tilespmem:s11], [sflag:$0x1] =	stream.indirect_vreg.gather [hbm4b:s1+s4], $0x80, v4, vm0, $0xb8;
	[tilespmem:$0xB180] =	vst v63  }
0x36: {  	_ = 	snop  }
0x37: {  	[tilespmem:s12], [sflag:$0x1] =	stream.indirect_vreg.gather [hbm4b:s1+s4], $0x80, v3, vm0, $0xb8;
	[tilespmem:$0xB180] =	vst v63  }
0x38: {  	v3 =	vld [tilespmem:$0x30];
	_ =	sdelay $0x4  }
0x39: {  	v55 =	vshll.u32 v3, $0x1  }
0x3a: {  	v3 =	vand.u32 $0x7, v3;
	v4 =	vand.u32 $0xFFFFFFF0, v55  }
0x3b: {  	v3 =	vor.u32 v3, v4  }
0x3c: {  	v4 =	vperm.xlane v3, v0;
	_ =	sdelay $0x1  }
0x3d: {  	v3 =	vperm.xlane v3, v2;
	v4 =	vadd.s32 v1, v4;
	_ =	sdelay $0x1  }
0x3e: {  	v3 =	vadd.s32 v1, v3;
	_ =	sdelay $0x2  }
0x3f: {  	[tilespmem:s13], [sflag:$0x1] =	stream.indirect_vreg.gather [hbm4b:s1+s4], $0x80, v4, vm0, $0xb8;
	[tilespmem:$0xB180] =	vst v63  }
0x40: {  	_ = 	snop  }
0x41: {  	[tilespmem:s14], [sflag:$0x1] =	stream.indirect_vreg.gather [hbm4b:s1+s4], $0x80, v3, vm0, $0xb8;
	[tilespmem:$0xB180] =	vst v63  }
0x42: {  	v3 =	vld [tilespmem:$0x40];
	_ =	sdelay $0x4  }
0x43: {  	v56 =	vshll.u32 v3, $0x1  }
0x44: {  	v3 =	vand.u32 $0x7, v3;
	v4 =	vand.u32 $0xFFFFFFF0, v56  }
0x45: {  	v3 =	vor.u32 v3, v4  }
0x46: {  	v4 =	vperm.xlane v3, v0;
	_ =	sdelay $0x1  }
0x47: {  	v3 =	vperm.xlane v3, v2;
	v4 =	vadd.s32 v1, v4;
	_ =	sdelay $0x1  }
0x48: {  	v3 =	vadd.s32 v1, v3;
	_ =	sdelay $0x2  }
0x49: {  	[tilespmem:s15], [sflag:$0x1] =	stream.indirect_vreg.gather [hbm4b:s1+s4], $0x80, v4, vm0, $0xb8;
	[tilespmem:$0xB180] =	vst v63  }
0x4a: {  	_ = 	snop  }
0x4b: {  	[tilespmem:s16], [sflag:$0x1] =	stream.indirect_vreg.gather [hbm4b:s1+s4], $0x80, v3, vm0, $0xb8;
	[tilespmem:$0xB180] =	vst v63  }
0x4c: {  	v3 =	vld [tilespmem:$0x50];
	_ =	sdelay $0x4  }
0x4d: {  	v57 =	vshll.u32 v3, $0x1  }
0x4e: {  	v3 =	vand.u32 $0x7, v3;
	v4 =	vand.u32 $0xFFFFFFF0, v57  }
0x4f: {  	v3 =	vor.u32 v3, v4  }
0x50: {  	v4 =	vperm.xlane v3, v0;
	_ =	sdelay $0x1  }
0x51: {  	v3 =	vperm.xlane v3, v2;
	v4 =	vadd.s32 v1, v4;
	_ =	sdelay $0x1  }
0x52: {  	v3 =	vadd.s32 v1, v3;
	_ =	sdelay $0x2  }
0x53: {  	[tilespmem:s17], [sflag:$0x1] =	stream.indirect_vreg.gather [hbm4b:s1+s4], $0x80, v4, vm0, $0xb8;
	[tilespmem:$0xB180] =	vst v63  }
0x54: {  	_ = 	snop  }
0x55: {  	[tilespmem:s18], [sflag:$0x1] =	stream.indirect_vreg.gather [hbm4b:s1+s4], $0x80, v3, vm0, $0xb8;
	[tilespmem:$0xB180] =	vst v63  }
0x56: {  	v3 =	vld [tilespmem:$0x60];
	_ =	sdelay $0x4  }
0x57: {  	v58 =	vshll.u32 v3, $0x1  }
0x58: {  	v3 =	vand.u32 $0x7, v3;
	v4 =	vand.u32 $0xFFFFFFF0, v58  }
0x59: {  	v3 =	vor.u32 v3, v4  }
0x5a: {  	v4 =	vperm.xlane v3, v0;
	_ =	sdelay $0x1  }
0x5b: {  	v3 =	vperm.xlane v3, v2;
	v4 =	vadd.s32 v1, v4;
	_ =	sdelay $0x1  }
0x5c: {  	v3 =	vadd.s32 v1, v3;
	_ =	sdelay $0x2  }
0x5d: {  	[tilespmem:s19], [sflag:$0x1] =	stream.indirect_vreg.gather [hbm4b:s1+s4], $0x80, v4, vm0, $0xb8;
	[tilespmem:$0xB180] =	vst v63  }
0x5e: {  	_ = 	snop  }
0x5f: {  	[tilespmem:s20], [sflag:$0x1] =	stream.indirect_vreg.gather [hbm4b:s1+s4], $0x80, v3, vm0, $0xb8;
	[tilespmem:$0xB180] =	vst v63  }
0x60: {  	v3 =	vld [tilespmem:$0x70];
	_ =	sdelay $0x4  }
0x61: {  	v59 =	vshll.u32 v3, $0x1  }
0x62: {  	v3 =	vand.u32 $0x7, v3;
	v4 =	vand.u32 $0xFFFFFFF0, v59  }
0x63: {  	v3 =	vor.u32 v3, v4  }
0x64: {  	v4 =	vperm.xlane v3, v0;
	_ =	sdelay $0x1  }
0x65: {  	v3 =	vperm.xlane v3, v2;
	v4 =	vadd.s32 v1, v4;
	_ =	sdelay $0x1  }
0x66: {  	v3 =	vadd.s32 v1, v3;
	_ =	sdelay $0x2  }
0x67: {  	[tilespmem:s21], [sflag:$0x1] =	stream.indirect_vreg.gather [hbm4b:s1+s4], $0x80, v4, vm0, $0xb8;
	[tilespmem:$0xB180] =	vst v63  }
0x68: {  	_ = 	snop  }
0x69: {  	[tilespmem:s22], [sflag:$0x1] =	stream.indirect_vreg.gather [hbm4b:s1+s4], $0x80, v3, vm0, $0xb8;
	[tilespmem:$0xB180] =	vst v63  }
0x6a: {  	v3 =	vld.msk [tilespmem:$0x80], $0xff;
	_ =	sdelay $0x4  }
0x6b: {  	v60 =	vshll.u32 v3, $0x1  }
0x6c: {  	v3 =	vand.u32 $0x7, v3;
	v4 =	vand.u32 $0xFFFFFFF0, v60  }
0x6d: {  	v3 =	vor.u32 v3, v4  }
0x6e: {  	v3 =	vperm.xlane v3, v0;
	_ =	sdelay $0x1  }
0x6f: {  	v3 =	vadd.s32 v1, v3;
	_ =	sdelay $0x4  }
0x70: {  	[tilespmem:s23], [sflag:$0x1] =	stream.indirect_vreg.gather [hbm4b:s1+s4], $0x80, v3, vm0, $0xb8;
	[tilespmem:$0xB180] =	vst v63  }
0x71: {  	s0 =	rddreg [dreg:$0x5]  }
0x72: {  	[tilespmem:s24], [sflag:$0x3] =	stream.linear.gather [hbm4b:s0+s4], $0x28, $0x38;
	[tilespmem:$0xB180] =	vst v63  }
0x73: {  	_ =	swait.ge [sflag:s6], $0x28  }
0x74: {  	[sflag:s6] =	ssyncset.done $0x0  }
0x75: {  	[sflag:s6] =	ssyncadd.s32 $0xFFFFFFD8  }
0x76: {  	v3 =	vld [tilespmem:$0x8900];
	_ =	sdelay $0x4  }
0x77: {  	v61 =	vshll.u32 v3, $0x1  }
0x78: {  	v3 =	vand.u32 $0x7, v3;
	v4 =	vand.u32 $0xFFFFFFF0, v61  }
0x79: {  	v3 =	vor.u32 v3, v4  }
0x7a: {  	v4 =	vperm.xlane v3, v0;
	_ =	sdelay $0x1  }
0x7b: {  	v3 =	vperm.xlane v3, v2;
	v4 =	vadd.s32 v1, v4;
	_ =	sdelay $0x1  }
0x7c: {  	v3 =	vadd.s32 v1, v3;
	_ =	sdelay $0x2  }
0x7d: {  	[tilespmem:s25], [sflag:$0x2] =	stream.indirect_vreg.gather [hbm4b:s3+s4], $0x80, v4, vm0, $0xb8;
	[tilespmem:$0xB180] =	vst v63  }
0x7e: {  	_ = 	snop  }
0x7f: {  	[tilespmem:s26], [sflag:$0x2] =	stream.indirect_vreg.gather [hbm4b:s3+s4], $0x80, v3, vm0, $0xb8;
	[tilespmem:$0xB180] =	vst v63  }
0x80: {  	v3 =	vld [tilespmem:$0x8910];
	_ =	sdelay $0x4  }
0x81: {  	v62 =	vshll.u32 v3, $0x1  }
0x82: {  	v3 =	vand.u32 $0x7, v3;
	v4 =	vand.u32 $0xFFFFFFF0, v62  }
0x83: {  	v3 =	vor.u32 v3, v4  }
0x84: {  	v4 =	vperm.xlane v3, v0;
	_ =	sdelay $0x1  }
0x85: {  	v3 =	vperm.xlane v3, v2;
	v4 =	vadd.s32 v1, v4;
	_ =	sdelay $0x1  }
0x86: {  	v3 =	vadd.s32 v1, v3;
	_ =	sdelay $0x2  }
0x87: {  	[tilespmem:s28], [sflag:$0x2] =	stream.indirect_vreg.gather [hbm4b:s3+s4], $0x80, v4, vm0, $0xb8;
	[tilespmem:$0xB180] =	vst v63  }
0x88: {  	_ = 	snop  }
0x89: {  	[tilespmem:s29], [sflag:$0x2] =	stream.indirect_vreg.gather [hbm4b:s3+s4], $0x80, v3, vm0, $0xb8;
	[tilespmem:$0xB180] =	vst v63  }
0x8a: {  	v3 =	vld.msk [tilespmem:$0x8920], $0xff;
	_ =	sdelay $0x4  }
0x8b: {  	v63 =	vshll.u32 v3, $0x1  }
0x8c: {  	v3 =	vand.u32 $0x7, v3;
	v4 =	vand.u32 $0xFFFFFFF0, v63  }
0x8d: {  	v3 =	vor.u32 v3, v4  }
0x8e: {  	v3 =	vperm.xlane v3, v0;
	_ =	sdelay $0x1  }
0x8f: {  	v3 =	vadd.s32 v1, v3;
	_ =	sdelay $0x4  }
0x90: {  	[tilespmem:s30], [sflag:$0x2] =	stream.indirect_vreg.gather [hbm4b:s3+s4], $0x80, v3, vm0, $0xb8;
	[tilespmem:$0xB180] =	vst v63  }
0x91: {  	_ =	swait.ge [sflag:s31], $0x8800  }
0x92: {  	[sflag:s31] =	ssyncset.done $0x0  }
0x93: {  	[sflag:s31] =	ssyncadd.s32 $0xFFFF7800  }
0x94: {  	_ =	swait.ge [sflag:s2], $0x2800  }
0x95: {  	[sflag:s2] =	ssyncset.done $0x0  }
0x96: {  	s0 =	rddreg [dreg:$0x6];
	[sflag:s2] =	ssyncadd.s32 $0xFFFFD800  }
0x97: {  	[hbm4b:s0+s4] =	stream.linear.scatter [tilespmem:s7], [sflag:$0x3], $0x8800, $0x38;
	[tilespmem:$0xB180] =	vst v63  }
0x98: {  	_ =	swait.ge [sflag:s6], $0x8800  }
0x99: {  	p0 =	sne.s32 s5, $0x1;
	[sflag:s6] =	ssyncset.done $0x0  }
.Ltmp0:
0x9a: {  	s0 =	rddreg [dreg:$0x7];
	[sflag:s6] =	ssyncadd.s32 $0xFFFF7800;
	(pc) =	sbr.rel @p0 .LBB2_1-.Ltmp0, $4  }
0x9b: {  	[hbm4b:s0+s4] =	stream.linear.scatter [tilespmem:s25], [sflag:$0x3], $0x2800, $0x38;
	[tilespmem:$0xB180] =	vst v63  }
0x9c: {  	_ =	swait.ge [sflag:s6], $0x2800  }
0x9d: {  	[sflag:s6] =	ssyncset.done $0x0  }
0x9e: {  	s5 =	sadd.s32 $0xFFFFFFFF, s5;
	[sflag:s6] =	ssyncadd.s32 $0xFFFFD800  }
0x9f: {  	_ =	sfence.sel $0x180000  }
0xa0: {  	[bflag:$0x0] =	sbarrier.arrive $0xFFFF  }
0xa1: {  	_ =	strace $0x90000047  }
0xa2: {  	s0 =	stileid.u32;
	[bflag:$0x2] =	sbarrier.arrive $0xFFFF  }
0xa3: {  	p0 =	sne.s32 s0, $0x0;
	s0 =	rddreg [dreg:$0x3]  }
0xa4: {  	s0 =	sadd.s32 @!p0 $0x100000, s0  }
0xa5: {  	[sflag:s0] =	ssyncadd.tile.s32 @!p0 $0x1;
	_ =	shalt  }
.Lfunc_end2:
_tile_overlayer_lowered:
.L_overlay_start_2:
0xa6: {  	(tag) =	ssettag $0x2  }
0xa7: {  	s0 =	rddreg [dreg:$0x0];
	s2 =	stileid.u32  }
0xa8: {  	s1 =	rddreg [dreg:$0x1];
	p0 =	sne.s32 s2, $0x0  }
0xa9: {  	s3 =	rddreg [dreg:$0x2];
	[bflag:$0x3] =	sbarrier.arrive $0xFFFF;
	s2 =	simm.s32 @!p0 $0x1C03  }
0xaa: {  	[timem:s3], [sflag:s2] =	dma.local @!p0 [hbm:s0], s1  }
0xab: {  	s0 =	simm.s32 @!p0 $0x3  }
0xac: {  	_ =	swait.ge @!p0 [sflag:s0], s1  }
0xad: {  	s1 =	ssub.s32 @!p0 $0x0, s1;
	[sflag:s0] =	ssyncset.done @!p0 $0x0  }
0xae: {  	[sflag:s0] =	ssyncadd.s32 @!p0 s1  }
0xaf: {  	[bflag:$0x3] =	sbarrier.arrive $0xFFFF  }
0xb0: {  	_ =	shalt  }

</sc_bundles>
